<compile_context>
chip_gen: v7x
topology: tpu7x:2x2x1
jax: 0.10.2.dev20260603
libtpu: 0.0.44.dev20260713+nightly
codegen_flags: <defaults>
</compile_context>

<pallas_src>
import functools
import jax
import jax.numpy as jnp
from jax import lax
from jax.experimental import pallas as pl
from jax.experimental.pallas import tpu as pltpu, tpu_sc as plsc

B, C, HP, WP = 2, 96, 192, 192
H, W = 384, 384
NPLANE = B * C
NUP = HP * WP
MOUT = H * W
HALF = MOUT // 2
NTOT = NPLANE * NUP
CH = 6144
NCHUNK = NUP // CH
VPC = CH // 16

NC, NS = 2, 16
NW = NC * NS
PPW = NPLANE // NW
HPW = 2 * PPW

_mesh = plsc.VectorSubcoreMesh(core_axis_name="c", subcore_axis_name="s")


@functools.partial(
    pl.kernel,
    out_type=jax.ShapeDtypeStruct((NPLANE * MOUT,), jnp.float32),
    mesh=_mesh,
    scratch_types=[
        pltpu.VMEM((HALF,), jnp.float32),
        pltpu.VMEM((CH + 16,), jnp.int32),
        pltpu.VMEM((CH + 16,), jnp.int32),
        pltpu.VMEM((CH,), jnp.float32),
        pltpu.VMEM((CH,), jnp.float32),
        pltpu.SemaphoreType.DMA,
        pltpu.SemaphoreType.DMA,
        pltpu.SemaphoreType.DMA,
    ],
    compiler_params=pltpu.CompilerParams(needs_layout_passes=False),
)
def _scatter_sorted(sk_hbm, sv_hbm, out_hbm, buf, kv0, kv1, vv0, vv1, s0, s1, so):
  wid = lax.axis_index("s") * NC + lax.axis_index("c")
  zeros16 = jnp.zeros((16,), jnp.float32)
  lane = jax.lax.iota(jnp.int32, 16)
  sems = (s0, s1)
  kvs = (kv0, kv1)
  vvs = (vv0, vv1)

  def window_start(g):
    plane = wid * PPW + lax.shift_right_logical(g, 1)
    return plane * NUP

  def issue(g, c):
    b = c % 2
    start = window_start(g) + c * CH
    pltpu.make_async_copy(sk_hbm.at[pl.ds(start, CH)],
                          kvs[b].at[pl.ds(0, CH)], sems[b]).start()
    la = jnp.minimum(start + CH, NTOT - 16)
    pltpu.make_async_copy(sk_hbm.at[pl.ds(la, 16)],
                          kvs[b].at[pl.ds(CH, 16)], sems[b]).start()
    pltpu.make_async_copy(sv_hbm.at[pl.ds(start, CH)],
                          vvs[b], sems[b]).start()

  def wait_chunk(g, c):
    b = c % 2
    start = window_start(g) + c * CH
    pltpu.make_async_copy(sk_hbm.at[pl.ds(start, CH)],
                          kvs[b].at[pl.ds(0, CH)], sems[b]).wait()
    la = jnp.minimum(start + CH, NTOT - 16)
    pltpu.make_async_copy(sk_hbm.at[pl.ds(la, 16)],
                          kvs[b].at[pl.ds(CH, 16)], sems[b]).wait()
    pltpu.make_async_copy(sv_hbm.at[pl.ds(start, CH)],
                          vvs[b], sems[b]).wait()

  def out_copy(g):
    plane = wid * PPW + lax.shift_right_logical(g, 1)
    half = lax.bitwise_and(g, 1)
    kbase = plane * MOUT + half * HALF
    return pltpu.make_async_copy(buf, out_hbm.at[pl.ds(kbase, HALF)], so)

  issue(0, 0)
  issue(0, 1)

  @pl.loop(0, HPW)
  def _halfplane(g):
    plane = wid * PPW + lax.shift_right_logical(g, 1)
    half = lax.bitwise_and(g, 1)
    wstart = plane * NUP
    kbase = plane * MOUT + half * HALF

    @pl.when(g > 0)
    def _():
      out_copy(g - 1).wait()

    @pl.loop(0, HALF // 16, unroll=8)
    def _zero(i):
      buf[pl.ds(i * 16, 16)] = zeros16

    for c in range(NCHUNK):
      b = c % 2
      wait_chunk(g, c)

      @pl.loop(0, VPC, unroll=4)
      def _vec(i):
        k0 = kvs[b][pl.ds(i * 16, 16)]
        k1 = kvs[b][pl.ds(i * 16 + 1, 16)]
        v = vvs[b][pl.ds(i * 16, 16)]
        local = k0 - kbase
        inr = plsc.bitcast(local, jnp.uint32) < jnp.uint32(HALF)
        pos = (wstart + c * CH + i * 16) + lane
        keep = (k0 != k1) | (pos == NTOT - 1)
        m = inr & keep
        plsc.store_scatter(buf, [local], v, mask=m)

      if c + 2 < NCHUNK:
        issue(g, c + 2)

    @pl.when(g < HPW - 1)
    def _():
      issue(g + 1, 0)
      issue(g + 1, 1)

    out_copy(g).start()

  out_copy(HPW - 1).wait()


def kernel(f, provenance):
  plane_off = (jnp.arange(NPLANE, dtype=jnp.int32) * MOUT).reshape(B, C, 1)
  keys = (provenance.reshape(B, C, NUP) + plane_off).reshape(-1)
  sk, sv = lax.sort((keys, f.reshape(-1)), dimension=0, is_stable=False,
                    num_keys=1)
  out = _scatter_sorted(sk, sv)
  return out.reshape(B, C, H, W)

# --- scband reference (transcript-rebuilt; emitter-appended) ---
"""Pipeline reference for scband-cuda-max-unpool2-d-32727650796052 (READ-ONLY COPY).

The authoritative reference and input builder live on the scoring server;
editing this copy changes nothing except your own understanding.
"""

import jax, jax.numpy as jnp
import numpy as np

B, C, HP, WP = 2, 96, 192, 192
H, W = 384, 384

def setup_inputs(seed: int = 0) -> dict:
    key = jax.random.key(seed)
    k1, k2 = jax.random.split(key)
    f = jax.random.normal(k1, (B, C, HP, WP), dtype=jnp.float32)
    # provenance: flat index into the H*W output plane for each pooled element
    provenance = jax.random.randint(k2, (B, C, HP, WP), 0, H * W, dtype=jnp.int32)
    return {"f": f, "provenance": provenance}

def reference(f, provenance):
    # Max-unpool with provenance: scatter (overwrite) pooled features into a
    # zero-initialized output of spatial size (H, W), per (batch, channel) plane.
    b, c, hp, wp = f.shape
    n = hp * wp
    vals = f.reshape(b, c, n)
    idx = provenance.reshape(b, c, n)
    out = jnp.zeros((b, c, H * W), dtype=f.dtype)
    bi = jnp.arange(b)[:, None, None]
    ci = jnp.arange(c)[None, :, None]
    out = out.at[bi, ci, idx].set(vals)
    return out.reshape(b, c, H, W)

if __name__ == "__main__":
    import jax
    _d = setup_inputs()
    print(jax.jit(kernel)(*tuple(_d.values())))

</pallas_src>

<mosaic_0001>
#map = affine_map<(d0, d1) -> (0)>
module attributes {stable_mosaic.version = 14 : i64} {
  func.func @_scatter_sorted(%arg0: i32, %arg1: i32, %arg2: memref<7077888xi32, #tpu.memory_space<hbm>>, %arg3: memref<7077888xf32, #tpu.memory_space<hbm>>, %arg4: memref<28311552xf32, #tpu.memory_space<hbm>>, %arg5: memref<73728xf32, #tpu.memory_space<vmem>>, %arg6: memref<6160xi32, #tpu.memory_space<vmem>>, %arg7: memref<6160xi32, #tpu.memory_space<vmem>>, %arg8: memref<6144xf32, #tpu.memory_space<vmem>>, %arg9: memref<6144xf32, #tpu.memory_space<vmem>>, %arg10: memref<!tpu.dma_semaphore, #tpu.memory_space<semaphore_mem>>, %arg11: memref<!tpu.dma_semaphore, #tpu.memory_space<semaphore_mem>>, %arg12: memref<!tpu.dma_semaphore, #tpu.memory_space<semaphore_mem>>) attributes {dimension_semantics = [#tpu.dimension_semantics<core_parallel>, #tpu.dimension_semantics<subcore_parallel>], iteration_bounds = array<i64: 2, 16>, scalar_prefetch = 0 : i64, scratch_operands = 8 : i64, tpu.core_type = #tpu.core_type<sc_vector_subcore>, window_params = [{transform_indices = #map}, {transform_indices = #map}, {transform_indices = #map}]} {
    %mul3A = arith.constant 2 : i32
    %mul3A_0 = arith.muli %arg1, %mul3A : i32
    %add3A = arith.addi %mul3A_0, %arg0 : i32
    %broadcast_in_dim3A = arith.constant 0.000000e+00 : f32
    %broadcast_in_dim3A_1 = vector.broadcast %broadcast_in_dim3A : f32 to vector<16xf32>
    %iota3A = tpu.iota {dimensions = array<i32: 0>} : vector<16xi32>
    %mul3A_2 = arith.constant 6 : i32
    %mul3A_3 = arith.muli %add3A, %mul3A_2 : i32
    %shift_right_logical3A = arith.constant 0 : i32
    %shift_right_logical3A_4 = arith.constant 1 : i32
    %shift_right_logical3A_5 = arith.shrui %shift_right_logical3A, %shift_right_logical3A_4 : i32
    %add3A_6 = arith.addi %mul3A_3, %shift_right_logical3A_5 : i32
    %mul3A_7 = arith.constant 36864 : i32
    %mul3A_8 = arith.muli %add3A_6, %mul3A_7 : i32
    %add3A_9 = arith.constant 0 : i32
    %add3A_10 = arith.addi %mul3A_8, %add3A_9 : i32
    %dma_start3A = arith.constant 0 : i32
    %dma_start3A_11 = tpu.memref_slice %arg6[%dma_start3A] : memref<6160xi32, #tpu.memory_space<vmem>> -> memref<6144xi32, #tpu.memory_space<vmem>>
    %dma_start3A_12 = tpu.memref_slice %arg2[%add3A_10] : memref<7077888xi32, #tpu.memory_space<hbm>> -> memref<6144xi32, #tpu.memory_space<hbm>>
    %dma_start3A_13 = arith.constant 0 : i32
    %dma_start3A_14 = tpu.memref_slice %arg6[%dma_start3A_13] : memref<6160xi32, #tpu.memory_space<vmem>> -> memref<6144xi32, #tpu.memory_space<vmem>>
    %dma_start3A_15 = tpu.memref_slice %arg2[%add3A_10] : memref<7077888xi32, #tpu.memory_space<hbm>> -> memref<6144xi32, #tpu.memory_space<hbm>>
    tpu.enqueue_dma source(%dma_start3A_15 : memref<6144xi32, #tpu.memory_space<hbm>>) target(%dma_start3A_14 : memref<6144xi32, #tpu.memory_space<vmem>>) target_semaphore(%arg10 : memref<!tpu.dma_semaphore, #tpu.memory_space<semaphore_mem>>)
    %add3A_16 = arith.constant 6144 : i32
    %add3A_17 = arith.addi %add3A_10, %add3A_16 : i32
    %min3A = arith.constant 7077872 : i32
    %min3A_18 = arith.minsi %add3A_17, %min3A : i32
    %dma_start3A_19 = arith.constant 6144 : i32
    %dma_start3A_20 = tpu.memref_slice %arg6[%dma_start3A_19] : memref<6160xi32, #tpu.memory_space<vmem>> -> memref<16xi32, #tpu.memory_space<vmem>>
    %dma_start3A_21 = tpu.memref_slice %arg2[%min3A_18] : memref<7077888xi32, #tpu.memory_space<hbm>> -> memref<16xi32, #tpu.memory_space<hbm>>
    %dma_start3A_22 = arith.constant 6144 : i32
    %dma_start3A_23 = tpu.memref_slice %arg6[%dma_start3A_22] : memref<6160xi32, #tpu.memory_space<vmem>> -> memref<16xi32, #tpu.memory_space<vmem>>
    %dma_start3A_24 = tpu.memref_slice %arg2[%min3A_18] : memref<7077888xi32, #tpu.memory_space<hbm>> -> memref<16xi32, #tpu.memory_space<hbm>>
    tpu.enqueue_dma source(%dma_start3A_24 : memref<16xi32, #tpu.memory_space<hbm>>) target(%dma_start3A_23 : memref<16xi32, #tpu.memory_space<vmem>>) target_semaphore(%arg10 : memref<!tpu.dma_semaphore, #tpu.memory_space<semaphore_mem>>)
    %dma_start3A_25 = tpu.memref_slice %arg3[%add3A_10] : memref<7077888xf32, #tpu.memory_space<hbm>> -> memref<6144xf32, #tpu.memory_space<hbm>>
    %dma_start3A_26 = tpu.memref_slice %arg3[%add3A_10] : memref<7077888xf32, #tpu.memory_space<hbm>> -> memref<6144xf32, #tpu.memory_space<hbm>>
    tpu.enqueue_dma source(%dma_start3A_26 : memref<6144xf32, #tpu.memory_space<hbm>>) target(%arg8 : memref<6144xf32, #tpu.memory_space<vmem>>) target_semaphore(%arg10 : memref<!tpu.dma_semaphore, #tpu.memory_space<semaphore_mem>>)
    %mul3A_27 = arith.constant 6 : i32
    %mul3A_28 = arith.muli %add3A, %mul3A_27 : i32
    %shift_right_logical3A_29 = arith.constant 0 : i32
    %shift_right_logical3A_30 = arith.constant 1 : i32
    %shift_right_logical3A_31 = arith.shrui %shift_right_logical3A_29, %shift_right_logical3A_30 : i32
    %add3A_32 = arith.addi %mul3A_28, %shift_right_logical3A_31 : i32
    %mul3A_33 = arith.constant 36864 : i32
    %mul3A_34 = arith.muli %add3A_32, %mul3A_33 : i32
    %add3A_35 = arith.constant 6144 : i32
    %add3A_36 = arith.addi %mul3A_34, %add3A_35 : i32
    %dma_start3A_37 = arith.constant 0 : i32
    %dma_start3A_38 = tpu.memref_slice %arg7[%dma_start3A_37] : memref<6160xi32, #tpu.memory_space<vmem>> -> memref<6144xi32, #tpu.memory_space<vmem>>
    %dma_start3A_39 = tpu.memref_slice %arg2[%add3A_36] : memref<7077888xi32, #tpu.memory_space<hbm>> -> memref<6144xi32, #tpu.memory_space<hbm>>
    %dma_start3A_40 = arith.constant 0 : i32
    %dma_start3A_41 = tpu.memref_slice %arg7[%dma_start3A_40] : memref<6160xi32, #tpu.memory_space<vmem>> -> memref<6144xi32, #tpu.memory_space<vmem>>
    %dma_start3A_42 = tpu.memref_slice %arg2[%add3A_36] : memref<7077888xi32, #tpu.memory_space<hbm>> -> memref<6144xi32, #tpu.memory_space<hbm>>
    tpu.enqueue_dma source(%dma_start3A_42 : memref<6144xi32, #tpu.memory_space<hbm>>) target(%dma_start3A_41 : memref<6144xi32, #tpu.memory_space<vmem>>) target_semaphore(%arg11 : memref<!tpu.dma_semaphore, #tpu.memory_space<semaphore_mem>>)
    %add3A_43 = arith.constant 6144 : i32
    %add3A_44 = arith.addi %add3A_36, %add3A_43 : i32
    %min3A_45 = arith.constant 7077872 : i32
    %min3A_46 = arith.minsi %add3A_44, %min3A_45 : i32
    %dma_start3A_47 = arith.constant 6144 : i32
    %dma_start3A_48 = tpu.memref_slice %arg7[%dma_start3A_47] : memref<6160xi32, #tpu.memory_space<vmem>> -> memref<16xi32, #tpu.memory_space<vmem>>
    %dma_start3A_49 = tpu.memref_slice %arg2[%min3A_46] : memref<7077888xi32, #tpu.memory_space<hbm>> -> memref<16xi32, #tpu.memory_space<hbm>>
    %dma_start3A_50 = arith.constant 6144 : i32
    %dma_start3A_51 = tpu.memref_slice %arg7[%dma_start3A_50] : memref<6160xi32, #tpu.memory_space<vmem>> -> memref<16xi32, #tpu.memory_space<vmem>>
    %dma_start3A_52 = tpu.memref_slice %arg2[%min3A_46] : memref<7077888xi32, #tpu.memory_space<hbm>> -> memref<16xi32, #tpu.memory_space<hbm>>
    tpu.enqueue_dma source(%dma_start3A_52 : memref<16xi32, #tpu.memory_space<hbm>>) target(%dma_start3A_51 : memref<16xi32, #tpu.memory_space<vmem>>) target_semaphore(%arg11 : memref<!tpu.dma_semaphore, #tpu.memory_space<semaphore_mem>>)
    %dma_start3A_53 = tpu.memref_slice %arg3[%add3A_36] : memref<7077888xf32, #tpu.memory_space<hbm>> -> memref<6144xf32, #tpu.memory_space<hbm>>
    %dma_start3A_54 = tpu.memref_slice %arg3[%add3A_36] : memref<7077888xf32, #tpu.memory_space<hbm>> -> memref<6144xf32, #tpu.memory_space<hbm>>
    tpu.enqueue_dma source(%dma_start3A_54 : memref<6144xf32, #tpu.memory_space<hbm>>) target(%arg9 : memref<6144xf32, #tpu.memory_space<vmem>>) target_semaphore(%arg11 : memref<!tpu.dma_semaphore, #tpu.memory_space<semaphore_mem>>)
    %scan3A = arith.constant 0 : i32
    %scan3A_55 = arith.constant 12 : i32
    %scan3A_56 = arith.addi %scan3A, %scan3A_55 : i32
    %scan3A_57 = arith.constant 1 : i32
    scf.for %scan3A_73 = %scan3A to %scan3A_56 step %scan3A_57  : i32 {
      %mul3A_74 = arith.constant 1 : i32
      %mul3A_75 = arith.muli %scan3A_73, %mul3A_74 : i32
      %add3A_76 = arith.constant 0 : i32
      %add3A_77 = arith.addi %add3A_76, %mul3A_75 : i32
      %mul3A_78 = arith.constant 6 : i32
      %mul3A_79 = arith.muli %add3A, %mul3A_78 : i32
      %shift_right_logical3A_80 = arith.constant 1 : i32
      %shift_right_logical3A_81 = arith.shrui %add3A_77, %shift_right_logical3A_80 : i32
      %add3A_82 = arith.addi %mul3A_79, %shift_right_logical3A_81 : i32
      %and3A_83 = arith.constant 1 : i32
      %and3A_84 = arith.andi %add3A_77, %and3A_83 : i32
      %mul3A_85 = arith.constant 36864 : i32
      %mul3A_86 = arith.muli %add3A_82, %mul3A_85 : i32
      %mul3A_87 = arith.constant 147456 : i32
      %mul3A_88 = arith.muli %add3A_82, %mul3A_87 : i32
      %mul3A_89 = arith.constant 73728 : i32
      %mul3A_90 = arith.muli %and3A_84, %mul3A_89 : i32
      %add3A_91 = arith.addi %mul3A_88, %mul3A_90 : i32
      %gt3A = arith.constant 0 : i32
      %gt3A_92 = arith.cmpi sgt, %add3A_77, %gt3A : i32
      %convert_element_type3A = arith.extui %gt3A_92 : i1 to i32
      %cond3A = arith.constant 0 : i32
      %cond3A_93 = arith.cmpi ne, %convert_element_type3A, %cond3A : i32
      scf.if %cond3A_93 {
        %sub3A = arith.constant 1 : i32
        %sub3A_417 = arith.subi %add3A_77, %sub3A : i32
        %mul3A_418 = arith.constant 6 : i32
        %mul3A_419 = arith.muli %add3A, %mul3A_418 : i32
        %shift_right_logical3A_420 = arith.constant 1 : i32
        %shift_right_logical3A_421 = arith.shrui %sub3A_417, %shift_right_logical3A_420 : i32
        %add3A_422 = arith.addi %mul3A_419, %shift_right_logical3A_421 : i32
        %and3A_423 = arith.constant 1 : i32
        %and3A_424 = arith.andi %sub3A_417, %and3A_423 : i32
        %mul3A_425 = arith.constant 147456 : i32
        %mul3A_426 = arith.muli %add3A_422, %mul3A_425 : i32
        %mul3A_427 = arith.constant 73728 : i32
        %mul3A_428 = arith.muli %and3A_424, %mul3A_427 : i32
        %add3A_429 = arith.addi %mul3A_426, %mul3A_428 : i32
        %dma_wait3A_430 = tpu.memref_slice %arg4[%add3A_429] : memref<28311552xf32, #tpu.memory_space<hbm>> -> memref<73728xf32, #tpu.memory_space<hbm>>
        %dma_wait3A_431 = tpu.memref_slice %arg4[%add3A_429] : memref<28311552xf32, #tpu.memory_space<hbm>> -> memref<73728xf32, #tpu.memory_space<hbm>>
        tpu.wait_dma2 semaphore(%arg12 : memref<!tpu.dma_semaphore, #tpu.memory_space<semaphore_mem>>) src(%arg5 : memref<73728xf32, #tpu.memory_space<vmem>>) dst(%dma_wait3A_431 : memref<73728xf32, #tpu.memory_space<hbm>>)
      } else {
      }
      %scan3A_94 = arith.constant 0 : i32
      %scan3A_95 = arith.constant 4608 : i32
      %scan3A_96 = arith.addi %scan3A_94, %scan3A_95 : i32
      %scan3A_97 = arith.constant 8 : i32
      scf.for %scan3A_417 = %scan3A_94 to %scan3A_96 step %scan3A_97  : i32 {
        %mul3A_418 = arith.constant 1 : i32
        %mul3A_419 = arith.muli %scan3A_417, %mul3A_418 : i32
        %add3A_420 = arith.constant 0 : i32
        %add3A_421 = arith.addi %add3A_420, %mul3A_419 : i32
        %mul3A_422 = arith.constant 16 : i32
        %mul3A_423 = arith.muli %add3A_421, %mul3A_422 : i32
        %swap3A = arith.index_cast %mul3A_423 : i32 to index
        %swap3A_424 = tpu.vector_load %arg5[%swap3A] {strides = array<i32>} : memref<73728xf32, #tpu.memory_space<vmem>>, vector<16xf32>,
        tpu.vector_store %arg5[%swap3A], %broadcast_in_dim3A_1 {strides = array<i32>} : memref<73728xf32, #tpu.memory_space<vmem>>, vector<16xf32>,
        %scan3A_425 = arith.constant 1 : i32
        %scan3A_426 = arith.addi %scan3A_417, %scan3A_425 : i32
        %mul3A_427 = arith.constant 1 : i32
        %mul3A_428 = arith.muli %scan3A_426, %mul3A_427 : i32
        %add3A_429 = arith.constant 0 : i32
        %add3A_430 = arith.addi %add3A_429, %mul3A_428 : i32
        %mul3A_431 = arith.constant 16 : i32
        %mul3A_432 = arith.muli %add3A_430, %mul3A_431 : i32
        %swap3A_433 = arith.index_cast %mul3A_432 : i32 to index
        %swap3A_434 = tpu.vector_load %arg5[%swap3A_433] {strides = array<i32>} : memref<73728xf32, #tpu.memory_space<vmem>>, vector<16xf32>,
        tpu.vector_store %arg5[%swap3A_433], %broadcast_in_dim3A_1 {strides = array<i32>} : memref<73728xf32, #tpu.memory_space<vmem>>, vector<16xf32>,
        %scan3A_435 = arith.constant 2 : i32
        %scan3A_436 = arith.addi %scan3A_417, %scan3A_435 : i32
        %mul3A_437 = arith.constant 1 : i32
        %mul3A_438 = arith.muli %scan3A_436, %mul3A_437 : i32
        %add3A_439 = arith.constant 0 : i32
        %add3A_440 = arith.addi %add3A_439, %mul3A_438 : i32
        %mul3A_441 = arith.constant 16 : i32
        %mul3A_442 = arith.muli %add3A_440, %mul3A_441 : i32
        %swap3A_443 = arith.index_cast %mul3A_442 : i32 to index
        %swap3A_444 = tpu.vector_load %arg5[%swap3A_443] {strides = array<i32>} : memref<73728xf32, #tpu.memory_space<vmem>>, vector<16xf32>,
        tpu.vector_store %arg5[%swap3A_443], %broadcast_in_dim3A_1 {strides = array<i32>} : memref<73728xf32, #tpu.memory_space<vmem>>, vector<16xf32>,
        %scan3A_445 = arith.constant 3 : i32
        %scan3A_446 = arith.addi %scan3A_417, %scan3A_445 : i32
        %mul3A_447 = arith.constant 1 : i32
        %mul3A_448 = arith.muli %scan3A_446, %mul3A_447 : i32
        %add3A_449 = arith.constant 0 : i32
        %add3A_450 = arith.addi %add3A_449, %mul3A_448 : i32
        %mul3A_451 = arith.constant 16 : i32
        %mul3A_452 = arith.muli %add3A_450, %mul3A_451 : i32
        %swap3A_453 = arith.index_cast %mul3A_452 : i32 to index
        %swap3A_454 = tpu.vector_load %arg5[%swap3A_453] {strides = array<i32>} : memref<73728xf32, #tpu.memory_space<vmem>>, vector<16xf32>,
        tpu.vector_store %arg5[%swap3A_453], %broadcast_in_dim3A_1 {strides = array<i32>} : memref<73728xf32, #tpu.memory_space<vmem>>, vector<16xf32>,
        %scan3A_455 = arith.constant 4 : i32
        %scan3A_456 = arith.addi %scan3A_417, %scan3A_455 : i32
        %mul3A_457 = arith.constant 1 : i32
        %mul3A_458 = arith.muli %scan3A_456, %mul3A_457 : i32
        %add3A_459 = arith.constant 0 : i32
        %add3A_460 = arith.addi %add3A_459, %mul3A_458 : i32
        %mul3A_461 = arith.constant 16 : i32
        %mul3A_462 = arith.muli %add3A_460, %mul3A_461 : i32
        %swap3A_463 = arith.index_cast %mul3A_462 : i32 to index
        %swap3A_464 = tpu.vector_load %arg5[%swap3A_463] {strides = array<i32>} : memref<73728xf32, #tpu.memory_space<vmem>>, vector<16xf32>,
        tpu.vector_store %arg5[%swap3A_463], %broadcast_in_dim3A_1 {strides = array<i32>} : memref<73728xf32, #tpu.memory_space<vmem>>, vector<16xf32>,
        %scan3A_465 = arith.constant 5 : i32
        %scan3A_466 = arith.addi %scan3A_417, %scan3A_465 : i32
        %mul3A_467 = arith.constant 1 : i32
        %mul3A_468 = arith.muli %scan3A_466, %mul3A_467 : i32
        %add3A_469 = arith.constant 0 : i32
        %add3A_470 = arith.addi %add3A_469, %mul3A_468 : i32
        %mul3A_471 = arith.constant 16 : i32
        %mul3A_472 = arith.muli %add3A_470, %mul3A_471 : i32
        %swap3A_473 = arith.index_cast %mul3A_472 : i32 to index
        %swap3A_474 = tpu.vector_load %arg5[%swap3A_473] {strides = array<i32>} : memref<73728xf32, #tpu.memory_space<vmem>>, vector<16xf32>,
        tpu.vector_store %arg5[%swap3A_473], %broadcast_in_dim3A_1 {strides = array<i32>} : memref<73728xf32, #tpu.memory_space<vmem>>, vector<16xf32>,
        %scan3A_475 = arith.constant 6 : i32
        %scan3A_476 = arith.addi %scan3A_417, %scan3A_475 : i32
        %mul3A_477 = arith.constant 1 : i32
        %mul3A_478 = arith.muli %scan3A_476, %mul3A_477 : i32
        %add3A_479 = arith.constant 0 : i32
        %add3A_480 = arith.addi %add3A_479, %mul3A_478 : i32
        %mul3A_481 = arith.constant 16 : i32
        %mul3A_482 = arith.muli %add3A_480, %mul3A_481 : i32
        %swap3A_483 = arith.index_cast %mul3A_482 : i32 to index
        %swap3A_484 = tpu.vector_load %arg5[%swap3A_483] {strides = array<i32>} : memref<73728xf32, #tpu.memory_space<vmem>>, vector<16xf32>,
        tpu.vector_store %arg5[%swap3A_483], %broadcast_in_dim3A_1 {strides = array<i32>} : memref<73728xf32, #tpu.memory_space<vmem>>, vector<16xf32>,
        %scan3A_485 = arith.constant 7 : i32
        %scan3A_486 = arith.addi %scan3A_417, %scan3A_485 : i32
        %mul3A_487 = arith.constant 1 : i32
        %mul3A_488 = arith.muli %scan3A_486, %mul3A_487 : i32
        %add3A_489 = arith.constant 0 : i32
        %add3A_490 = arith.addi %add3A_489, %mul3A_488 : i32
        %mul3A_491 = arith.constant 16 : i32
        %mul3A_492 = arith.muli %add3A_490, %mul3A_491 : i32
        %swap3A_493 = arith.index_cast %mul3A_492 : i32 to index
        %swap3A_494 = tpu.vector_load %arg5[%swap3A_493] {strides = array<i32>} : memref<73728xf32, #tpu.memory_space<vmem>>, vector<16xf32>,
        tpu.vector_store %arg5[%swap3A_493], %broadcast_in_dim3A_1 {strides = array<i32>} : memref<73728xf32, #tpu.memory_space<vmem>>, vector<16xf32>,
      }
      %scan3A_98 = arith.constant 4608 : i32
      %mul3A_99 = arith.constant 6 : i32
      %mul3A_100 = arith.muli %add3A, %mul3A_99 : i32
      %shift_right_logical3A_101 = arith.constant 1 : i32
      %shift_right_logical3A_102 = arith.shrui %add3A_77, %shift_right_logical3A_101 : i32
      %add3A_103 = arith.addi %mul3A_100, %shift_right_logical3A_102 : i32
      %mul3A_104 = arith.constant 36864 : i32
      %mul3A_105 = arith.muli %add3A_103, %mul3A_104 : i32
      %add3A_106 = arith.constant 0 : i32
      %add3A_107 = arith.addi %mul3A_105, %add3A_106 : i32
      %dma_wait3A_108 = arith.constant 0 : i32
      %dma_wait3A_109 = tpu.memref_slice %arg6[%dma_wait3A_108] : memref<6160xi32, #tpu.memory_space<vmem>> -> memref<6144xi32, #tpu.memory_space<vmem>>
      %dma_wait3A_110 = tpu.memref_slice %arg2[%add3A_107] : memref<7077888xi32, #tpu.memory_space<hbm>> -> memref<6144xi32, #tpu.memory_space<hbm>>
      %dma_wait3A_111 = arith.constant 0 : i32
      %dma_wait3A_112 = tpu.memref_slice %arg6[%dma_wait3A_111] : memref<6160xi32, #tpu.memory_space<vmem>> -> memref<6144xi32, #tpu.memory_space<vmem>>
      %dma_wait3A_113 = tpu.memref_slice %arg2[%add3A_107] : memref<7077888xi32, #tpu.memory_space<hbm>> -> memref<6144xi32, #tpu.memory_space<hbm>>
      tpu.wait_dma2 semaphore(%arg10 : memref<!tpu.dma_semaphore, #tpu.memory_space<semaphore_mem>>) src(%dma_wait3A_113 : memref<6144xi32, #tpu.memory_space<hbm>>) dst(%dma_wait3A_112 : memref<6144xi32, #tpu.memory_space<vmem>>)
      %add3A_114 = arith.constant 6144 : i32
      %add3A_115 = arith.addi %add3A_107, %add3A_114 : i32
      %min3A_116 = arith.constant 7077872 : i32
      %min3A_117 = arith.minsi %add3A_115, %min3A_116 : i32
      %dma_wait3A_118 = arith.constant 6144 : i32
      %dma_wait3A_119 = tpu.memref_slice %arg6[%dma_wait3A_118] : memref<6160xi32, #tpu.memory_space<vmem>> -> memref<16xi32, #tpu.memory_space<vmem>>
      %dma_wait3A_120 = tpu.memref_slice %arg2[%min3A_117] : memref<7077888xi32, #tpu.memory_space<hbm>> -> memref<16xi32, #tpu.memory_space<hbm>>
      %dma_wait3A_121 = arith.constant 6144 : i32
      %dma_wait3A_122 = tpu.memref_slice %arg6[%dma_wait3A_121] : memref<6160xi32, #tpu.memory_space<vmem>> -> memref<16xi32, #tpu.memory_space<vmem>>
      %dma_wait3A_123 = tpu.memref_slice %arg2[%min3A_117] : memref<7077888xi32, #tpu.memory_space<hbm>> -> memref<16xi32, #tpu.memory_space<hbm>>
      tpu.wait_dma2 semaphore(%arg10 : memref<!tpu.dma_semaphore, #tpu.memory_space<semaphore_mem>>) src(%dma_wait3A_123 : memref<16xi32, #tpu.memory_space<hbm>>) dst(%dma_wait3A_122 : memref<16xi32, #tpu.memory_space<vmem>>)
      %dma_wait3A_124 = tpu.memref_slice %arg3[%add3A_107] : memref<7077888xf32, #tpu.memory_space<hbm>> -> memref<6144xf32, #tpu.memory_space<hbm>>
      %dma_wait3A_125 = tpu.memref_slice %arg3[%add3A_107] : memref<7077888xf32, #tpu.memory_space<hbm>> -> memref<6144xf32, #tpu.memory_space<hbm>>
      tpu.wait_dma2 semaphore(%arg10 : memref<!tpu.dma_semaphore, #tpu.memory_space<semaphore_mem>>) src(%dma_wait3A_125 : memref<6144xf32, #tpu.memory_space<hbm>>) dst(%arg8 : memref<6144xf32, #tpu.memory_space<vmem>>)
      %scan3A_126 = arith.constant 0 : i32
      %scan3A_127 = arith.constant 384 : i32
      %scan3A_128 = arith.addi %scan3A_126, %scan3A_127 : i32
      %scan3A_129 = arith.constant 4 : i32
      scf.for %scan3A_417 = %scan3A_126 to %scan3A_128 step %scan3A_129  : i32 {
        %mul3A_418 = arith.constant 1 : i32
        %mul3A_419 = arith.muli %scan3A_417, %mul3A_418 : i32
        %add3A_420 = arith.constant 0 : i32
        %add3A_421 = arith.addi %add3A_420, %mul3A_419 : i32
        %mul3A_422 = arith.constant 16 : i32
        %mul3A_423 = arith.muli %add3A_421, %mul3A_422 : i32
        %get3A = arith.index_cast %mul3A_423 : i32 to index
        %get3A_424 = tpu.vector_load %arg6[%get3A] {strides = array<i32>} : memref<6160xi32, #tpu.memory_space<vmem>>, vector<16xi32>,
        %mul3A_425 = arith.constant 16 : i32
        %mul3A_426 = arith.muli %add3A_421, %mul3A_425 : i32
        %add3A_427 = arith.constant 1 : i32
        %add3A_428 = arith.addi %mul3A_426, %add3A_427 : i32
        %get3A_429 = arith.index_cast %add3A_428 : i32 to index
        %get3A_430 = tpu.vector_load %arg6[%get3A_429] {strides = array<i32>} : memref<6160xi32, #tpu.memory_space<vmem>>, vector<16xi32>,
        %mul3A_431 = arith.constant 16 : i32
        %mul3A_432 = arith.muli %add3A_421, %mul3A_431 : i32
        %get3A_433 = arith.index_cast %mul3A_432 : i32 to index
        %get3A_434 = tpu.vector_load %arg8[%get3A_433] {strides = array<i32>} : memref<6144xf32, #tpu.memory_space<vmem>>, vector<16xf32>,
        %sub3A = vector.broadcast %add3A_91 : i32 to vector<16xi32>
        %sub3A_435 = arith.subi %get3A_424, %sub3A : vector<16xi32>
        %bitcast3A = vector.bitcast %sub3A_435 : vector<16xi32> to vector<16xi32>
        %lt3A_436 = arith.constant 73728 : i32
        %lt3A_437 = vector.broadcast %lt3A_436 : i32 to vector<16xi32>
        %lt3A_438 = arith.cmpi ult, %bitcast3A, %lt3A_437 : vector<16xi32>
        %add3A_439 = arith.constant 0 : i32
        %add3A_440 = arith.addi %mul3A_86, %add3A_439 : i32
        %mul3A_441 = arith.constant 16 : i32
        %mul3A_442 = arith.muli %add3A_421, %mul3A_441 : i32
        %add3A_443 = arith.addi %add3A_440, %mul3A_442 : i32
        %add3A_444 = vector.broadcast %add3A_443 : i32 to vector<16xi32>
        %add3A_445 = arith.addi %add3A_444, %iota3A : vector<16xi32>
        %ne3A = arith.cmpi ne, %get3A_424, %get3A_430 : vector<16xi32>
        %eq3A = arith.constant 7077887 : i32
        %eq3A_446 = vector.broadcast %eq3A : i32 to vector<16xi32>
        %eq3A_447 = arith.cmpi eq, %add3A_445, %eq3A_446 : vector<16xi32>
        %or3A = arith.ori %ne3A, %eq3A_447 : vector<16xi1>
        %and3A_448 = arith.andi %lt3A_438, %or3A : vector<16xi1>
        tpu.vector_store_idx %arg5[%sub3A_435], %get3A_434 masked %and3A_448 : memref<73728xf32, #tpu.memory_space<vmem>>[vector<16xi32>], vector<16xf32>, vector<16xi1>
        %scan3A_449 = arith.constant 1 : i32
        %scan3A_450 = arith.addi %scan3A_417, %scan3A_449 : i32
        %mul3A_451 = arith.constant 1 : i32
        %mul3A_452 = arith.muli %scan3A_450, %mul3A_451 : i32
        %add3A_453 = arith.constant 0 : i32
        %add3A_454 = arith.addi %add3A_453, %mul3A_452 : i32
        %mul3A_455 = arith.constant 16 : i32
        %mul3A_456 = arith.muli %add3A_454, %mul3A_455 : i32
        %get3A_457 = arith.index_cast %mul3A_456 : i32 to index
        %get3A_458 = tpu.vector_load %arg6[%get3A_457] {strides = array<i32>} : memref<6160xi32, #tpu.memory_space<vmem>>, vector<16xi32>,
        %mul3A_459 = arith.constant 16 : i32
        %mul3A_460 = arith.muli %add3A_454, %mul3A_459 : i32
        %add3A_461 = arith.constant 1 : i32
        %add3A_462 = arith.addi %mul3A_460, %add3A_461 : i32
        %get3A_463 = arith.index_cast %add3A_462 : i32 to index
        %get3A_464 = tpu.vector_load %arg6[%get3A_463] {strides = array<i32>} : memref<6160xi32, #tpu.memory_space<vmem>>, vector<16xi32>,
        %mul3A_465 = arith.constant 16 : i32
        %mul3A_466 = arith.muli %add3A_454, %mul3A_465 : i32
        %get3A_467 = arith.index_cast %mul3A_466 : i32 to index
        %get3A_468 = tpu.vector_load %arg8[%get3A_467] {strides = array<i32>} : memref<6144xf32, #tpu.memory_space<vmem>>, vector<16xf32>,
        %sub3A_469 = vector.broadcast %add3A_91 : i32 to vector<16xi32>
        %sub3A_470 = arith.subi %get3A_458, %sub3A_469 : vector<16xi32>
        %bitcast3A_471 = vector.bitcast %sub3A_470 : vector<16xi32> to vector<16xi32>
        %lt3A_472 = arith.constant 73728 : i32
        %lt3A_473 = vector.broadcast %lt3A_472 : i32 to vector<16xi32>
        %lt3A_474 = arith.cmpi ult, %bitcast3A_471, %lt3A_473 : vector<16xi32>
        %add3A_475 = arith.constant 0 : i32
        %add3A_476 = arith.addi %mul3A_86, %add3A_475 : i32
        %mul3A_477 = arith.constant 16 : i32
        %mul3A_478 = arith.muli %add3A_454, %mul3A_477 : i32
        %add3A_479 = arith.addi %add3A_476, %mul3A_478 : i32
        %add3A_480 = vector.broadcast %add3A_479 : i32 to vector<16xi32>
        %add3A_481 = arith.addi %add3A_480, %iota3A : vector<16xi32>
        %ne3A_482 = arith.cmpi ne, %get3A_458, %get3A_464 : vector<16xi32>
        %eq3A_483 = arith.constant 7077887 : i32
        %eq3A_484 = vector.broadcast %eq3A_483 : i32 to vector<16xi32>
        %eq3A_485 = arith.cmpi eq, %add3A_481, %eq3A_484 : vector<16xi32>
        %or3A_486 = arith.ori %ne3A_482, %eq3A_485 : vector<16xi1>
        %and3A_487 = arith.andi %lt3A_474, %or3A_486 : vector<16xi1>
        tpu.vector_store_idx %arg5[%sub3A_470], %get3A_468 masked %and3A_487 : memref<73728xf32, #tpu.memory_space<vmem>>[vector<16xi32>], vector<16xf32>, vector<16xi1>
        %scan3A_488 = arith.constant 2 : i32
        %scan3A_489 = arith.addi %scan3A_417, %scan3A_488 : i32
        %mul3A_490 = arith.constant 1 : i32
        %mul3A_491 = arith.muli %scan3A_489, %mul3A_490 : i32
        %add3A_492 = arith.constant 0 : i32
        %add3A_493 = arith.addi %add3A_492, %mul3A_491 : i32
        %mul3A_494 = arith.constant 16 : i32
        %mul3A_495 = arith.muli %add3A_493, %mul3A_494 : i32
        %get3A_496 = arith.index_cast %mul3A_495 : i32 to index
        %get3A_497 = tpu.vector_load %arg6[%get3A_496] {strides = array<i32>} : memref<6160xi32, #tpu.memory_space<vmem>>, vector<16xi32>,
        %mul3A_498 = arith.constant 16 : i32
        %mul3A_499 = arith.muli %add3A_493, %mul3A_498 : i32
        %add3A_500 = arith.constant 1 : i32
        %add3A_501 = arith.addi %mul3A_499, %add3A_500 : i32
        %get3A_502 = arith.index_cast %add3A_501 : i32 to index
        %get3A_503 = tpu.vector_load %arg6[%get3A_502] {strides = array<i32>} : memref<6160xi32, #tpu.memory_space<vmem>>, vector<16xi32>,
        %mul3A_504 = arith.constant 16 : i32
        %mul3A_505 = arith.muli %add3A_493, %mul3A_504 : i32
        %get3A_506 = arith.index_cast %mul3A_505 : i32 to index
        %get3A_507 = tpu.vector_load %arg8[%get3A_506] {strides = array<i32>} : memref<6144xf32, #tpu.memory_space<vmem>>, vector<16xf32>,
        %sub3A_508 = vector.broadcast %add3A_91 : i32 to vector<16xi32>
        %sub3A_509 = arith.subi %get3A_497, %sub3A_508 : vector<16xi32>
        %bitcast3A_510 = vector.bitcast %sub3A_509 : vector<16xi32> to vector<16xi32>
        %lt3A_511 = arith.constant 73728 : i32
        %lt3A_512 = vector.broadcast %lt3A_511 : i32 to vector<16xi32>
        %lt3A_513 = arith.cmpi ult, %bitcast3A_510, %lt3A_512 : vector<16xi32>
        %add3A_514 = arith.constant 0 : i32
        %add3A_515 = arith.addi %mul3A_86, %add3A_514 : i32
        %mul3A_516 = arith.constant 16 : i32
        %mul3A_517 = arith.muli %add3A_493, %mul3A_516 : i32
        %add3A_518 = arith.addi %add3A_515, %mul3A_517 : i32
        %add3A_519 = vector.broadcast %add3A_518 : i32 to vector<16xi32>
        %add3A_520 = arith.addi %add3A_519, %iota3A : vector<16xi32>
        %ne3A_521 = arith.cmpi ne, %get3A_497, %get3A_503 : vector<16xi32>
        %eq3A_522 = arith.constant 7077887 : i32
        %eq3A_523 = vector.broadcast %eq3A_522 : i32 to vector<16xi32>
        %eq3A_524 = arith.cmpi eq, %add3A_520, %eq3A_523 : vector<16xi32>
        %or3A_525 = arith.ori %ne3A_521, %eq3A_524 : vector<16xi1>
        %and3A_526 = arith.andi %lt3A_513, %or3A_525 : vector<16xi1>
        tpu.vector_store_idx %arg5[%sub3A_509], %get3A_507 masked %and3A_526 : memref<73728xf32, #tpu.memory_space<vmem>>[vector<16xi32>], vector<16xf32>, vector<16xi1>
        %scan3A_527 = arith.constant 3 : i32
        %scan3A_528 = arith.addi %scan3A_417, %scan3A_527 : i32
        %mul3A_529 = arith.constant 1 : i32
        %mul3A_530 = arith.muli %scan3A_528, %mul3A_529 : i32
        %add3A_531 = arith.constant 0 : i32
        %add3A_532 = arith.addi %add3A_531, %mul3A_530 : i32
        %mul3A_533 = arith.constant 16 : i32
        %mul3A_534 = arith.muli %add3A_532, %mul3A_533 : i32
        %get3A_535 = arith.index_cast %mul3A_534 : i32 to index
        %get3A_536 = tpu.vector_load %arg6[%get3A_535] {strides = array<i32>} : memref<6160xi32, #tpu.memory_space<vmem>>, vector<16xi32>,
        %mul3A_537 = arith.constant 16 : i32
        %mul3A_538 = arith.muli %add3A_532, %mul3A_537 : i32
        %add3A_539 = arith.constant 1 : i32
        %add3A_540 = arith.addi %mul3A_538, %add3A_539 : i32
        %get3A_541 = arith.index_cast %add3A_540 : i32 to index
        %get3A_542 = tpu.vector_load %arg6[%get3A_541] {strides = array<i32>} : memref<6160xi32, #tpu.memory_space<vmem>>, vector<16xi32>,
        %mul3A_543 = arith.constant 16 : i32
        %mul3A_544 = arith.muli %add3A_532, %mul3A_543 : i32
        %get3A_545 = arith.index_cast %mul3A_544 : i32 to index
        %get3A_546 = tpu.vector_load %arg8[%get3A_545] {strides = array<i32>} : memref<6144xf32, #tpu.memory_space<vmem>>, vector<16xf32>,
        %sub3A_547 = vector.broadcast %add3A_91 : i32 to vector<16xi32>
        %sub3A_548 = arith.subi %get3A_536, %sub3A_547 : vector<16xi32>
        %bitcast3A_549 = vector.bitcast %sub3A_548 : vector<16xi32> to vector<16xi32>
        %lt3A_550 = arith.constant 73728 : i32
        %lt3A_551 = vector.broadcast %lt3A_550 : i32 to vector<16xi32>
        %lt3A_552 = arith.cmpi ult, %bitcast3A_549, %lt3A_551 : vector<16xi32>
        %add3A_553 = arith.constant 0 : i32
        %add3A_554 = arith.addi %mul3A_86, %add3A_553 : i32
        %mul3A_555 = arith.constant 16 : i32
        %mul3A_556 = arith.muli %add3A_532, %mul3A_555 : i32
        %add3A_557 = arith.addi %add3A_554, %mul3A_556 : i32
        %add3A_558 = vector.broadcast %add3A_557 : i32 to vector<16xi32>
        %add3A_559 = arith.addi %add3A_558, %iota3A : vector<16xi32>
        %ne3A_560 = arith.cmpi ne, %get3A_536, %get3A_542 : vector<16xi32>
        %eq3A_561 = arith.constant 7077887 : i32
        %eq3A_562 = vector.broadcast %eq3A_561 : i32 to vector<16xi32>
        %eq3A_563 = arith.cmpi eq, %add3A_559, %eq3A_562 : vector<16xi32>
        %or3A_564 = arith.ori %ne3A_560, %eq3A_563 : vector<16xi1>
        %and3A_565 = arith.andi %lt3A_552, %or3A_564 : vector<16xi1>
        tpu.vector_store_idx %arg5[%sub3A_548], %get3A_546 masked %and3A_565 : memref<73728xf32, #tpu.memory_space<vmem>>[vector<16xi32>], vector<16xf32>, vector<16xi1>
      }
      %scan3A_130 = arith.constant 384 : i32
      %mul3A_131 = arith.constant 6 : i32
      %mul3A_132 = arith.muli %add3A, %mul3A_131 : i32
      %shift_right_logical3A_133 = arith.constant 1 : i32
      %shift_right_logical3A_134 = arith.shrui %add3A_77, %shift_right_logical3A_133 : i32
      %add3A_135 = arith.addi %mul3A_132, %shift_right_logical3A_134 : i32
      %mul3A_136 = arith.constant 36864 : i32
      %mul3A_137 = arith.muli %add3A_135, %mul3A_136 : i32
      %add3A_138 = arith.constant 12288 : i32
      %add3A_139 = arith.addi %mul3A_137, %add3A_138 : i32
      %dma_start3A_140 = arith.constant 0 : i32
      %dma_start3A_141 = tpu.memref_slice %arg6[%dma_start3A_140] : memref<6160xi32, #tpu.memory_space<vmem>> -> memref<6144xi32, #tpu.memory_space<vmem>>
      %dma_start3A_142 = tpu.memref_slice %arg2[%add3A_139] : memref<7077888xi32, #tpu.memory_space<hbm>> -> memref<6144xi32, #tpu.memory_space<hbm>>
      %dma_start3A_143 = arith.constant 0 : i32
      %dma_start3A_144 = tpu.memref_slice %arg6[%dma_start3A_143] : memref<6160xi32, #tpu.memory_space<vmem>> -> memref<6144xi32, #tpu.memory_space<vmem>>
      %dma_start3A_145 = tpu.memref_slice %arg2[%add3A_139] : memref<7077888xi32, #tpu.memory_space<hbm>> -> memref<6144xi32, #tpu.memory_space<hbm>>
      tpu.enqueue_dma source(%dma_start3A_145 : memref<6144xi32, #tpu.memory_space<hbm>>) target(%dma_start3A_144 : memref<6144xi32, #tpu.memory_space<vmem>>) target_semaphore(%arg10 : memref<!tpu.dma_semaphore, #tpu.memory_space<semaphore_mem>>)
      %add3A_146 = arith.constant 6144 : i32
      %add3A_147 = arith.addi %add3A_139, %add3A_146 : i32
      %min3A_148 = arith.constant 7077872 : i32
      %min3A_149 = arith.minsi %add3A_147, %min3A_148 : i32
      %dma_start3A_150 = arith.constant 6144 : i32
      %dma_start3A_151 = tpu.memref_slice %arg6[%dma_start3A_150] : memref<6160xi32, #tpu.memory_space<vmem>> -> memref<16xi32, #tpu.memory_space<vmem>>
      %dma_start3A_152 = tpu.memref_slice %arg2[%min3A_149] : memref<7077888xi32, #tpu.memory_space<hbm>> -> memref<16xi32, #tpu.memory_space<hbm>>
      %dma_start3A_153 = arith.constant 6144 : i32
      %dma_start3A_154 = tpu.memref_slice %arg6[%dma_start3A_153] : memref<6160xi32, #tpu.memory_space<vmem>> -> memref<16xi32, #tpu.memory_space<vmem>>
      %dma_start3A_155 = tpu.memref_slice %arg2[%min3A_149] : memref<7077888xi32, #tpu.memory_space<hbm>> -> memref<16xi32, #tpu.memory_space<hbm>>
      tpu.enqueue_dma source(%dma_start3A_155 : memref<16xi32, #tpu.memory_space<hbm>>) target(%dma_start3A_154 : memref<16xi32, #tpu.memory_space<vmem>>) target_semaphore(%arg10 : memref<!tpu.dma_semaphore, #tpu.memory_space<semaphore_mem>>)
      %dma_start3A_156 = tpu.memref_slice %arg3[%add3A_139] : memref<7077888xf32, #tpu.memory_space<hbm>> -> memref<6144xf32, #tpu.memory_space<hbm>>
      %dma_start3A_157 = tpu.memref_slice %arg3[%add3A_139] : memref<7077888xf32, #tpu.memory_space<hbm>> -> memref<6144xf32, #tpu.memory_space<hbm>>
      tpu.enqueue_dma source(%dma_start3A_157 : memref<6144xf32, #tpu.memory_space<hbm>>) target(%arg8 : memref<6144xf32, #tpu.memory_space<vmem>>) target_semaphore(%arg10 : memref<!tpu.dma_semaphore, #tpu.memory_space<semaphore_mem>>)
      %mul3A_158 = arith.constant 6 : i32
      %mul3A_159 = arith.muli %add3A, %mul3A_158 : i32
      %shift_right_logical3A_160 = arith.constant 1 : i32
      %shift_right_logical3A_161 = arith.shrui %add3A_77, %shift_right_logical3A_160 : i32
      %add3A_162 = arith.addi %mul3A_159, %shift_right_logical3A_161 : i32
      %mul3A_163 = arith.constant 36864 : i32
      %mul3A_164 = arith.muli %add3A_162, %mul3A_163 : i32
      %add3A_165 = arith.constant 6144 : i32
      %add3A_166 = arith.addi %mul3A_164, %add3A_165 : i32
      %dma_wait3A_167 = arith.constant 0 : i32
      %dma_wait3A_168 = tpu.memref_slice %arg7[%dma_wait3A_167] : memref<6160xi32, #tpu.memory_space<vmem>> -> memref<6144xi32, #tpu.memory_space<vmem>>
      %dma_wait3A_169 = tpu.memref_slice %arg2[%add3A_166] : memref<7077888xi32, #tpu.memory_space<hbm>> -> memref<6144xi32, #tpu.memory_space<hbm>>
      %dma_wait3A_170 = arith.constant 0 : i32
      %dma_wait3A_171 = tpu.memref_slice %arg7[%dma_wait3A_170] : memref<6160xi32, #tpu.memory_space<vmem>> -> memref<6144xi32, #tpu.memory_space<vmem>>
      %dma_wait3A_172 = tpu.memref_slice %arg2[%add3A_166] : memref<7077888xi32, #tpu.memory_space<hbm>> -> memref<6144xi32, #tpu.memory_space<hbm>>
      tpu.wait_dma2 semaphore(%arg11 : memref<!tpu.dma_semaphore, #tpu.memory_space<semaphore_mem>>) src(%dma_wait3A_172 : memref<6144xi32, #tpu.memory_space<hbm>>) dst(%dma_wait3A_171 : memref<6144xi32, #tpu.memory_space<vmem>>)
      %add3A_173 = arith.constant 6144 : i32
      %add3A_174 = arith.addi %add3A_166, %add3A_173 : i32
      %min3A_175 = arith.constant 7077872 : i32
      %min3A_176 = arith.minsi %add3A_174, %min3A_175 : i32
      %dma_wait3A_177 = arith.constant 6144 : i32
      %dma_wait3A_178 = tpu.memref_slice %arg7[%dma_wait3A_177] : memref<6160xi32, #tpu.memory_space<vmem>> -> memref<16xi32, #tpu.memory_space<vmem>>
      %dma_wait3A_179 = tpu.memref_slice %arg2[%min3A_176] : memref<7077888xi32, #tpu.memory_space<hbm>> -> memref<16xi32, #tpu.memory_space<hbm>>
      %dma_wait3A_180 = arith.constant 6144 : i32
      %dma_wait3A_181 = tpu.memref_slice %arg7[%dma_wait3A_180] : memref<6160xi32, #tpu.memory_space<vmem>> -> memref<16xi32, #tpu.memory_space<vmem>>
      %dma_wait3A_182 = tpu.memref_slice %arg2[%min3A_176] : memref<7077888xi32, #tpu.memory_space<hbm>> -> memref<16xi32, #tpu.memory_space<hbm>>
      tpu.wait_dma2 semaphore(%arg11 : memref<!tpu.dma_semaphore, #tpu.memory_space<semaphore_mem>>) src(%dma_wait3A_182 : memref<16xi32, #tpu.memory_space<hbm>>) dst(%dma_wait3A_181 : memref<16xi32, #tpu.memory_space<vmem>>)
      %dma_wait3A_183 = tpu.memref_slice %arg3[%add3A_166] : memref<7077888xf32, #tpu.memory_space<hbm>> -> memref<6144xf32, #tpu.memory_space<hbm>>
      %dma_wait3A_184 = tpu.memref_slice %arg3[%add3A_166] : memref<7077888xf32, #tpu.memory_space<hbm>> -> memref<6144xf32, #tpu.memory_space<hbm>>
      tpu.wait_dma2 semaphore(%arg11 : memref<!tpu.dma_semaphore, #tpu.memory_space<semaphore_mem>>) src(%dma_wait3A_184 : memref<6144xf32, #tpu.memory_space<hbm>>) dst(%arg9 : memref<6144xf32, #tpu.memory_space<vmem>>)
      %scan3A_185 = arith.constant 0 : i32
      %scan3A_186 = arith.constant 384 : i32
      %scan3A_187 = arith.addi %scan3A_185, %scan3A_186 : i32
      %scan3A_188 = arith.constant 4 : i32
      scf.for %scan3A_417 = %scan3A_185 to %scan3A_187 step %scan3A_188  : i32 {
        %mul3A_418 = arith.constant 1 : i32
        %mul3A_419 = arith.muli %scan3A_417, %mul3A_418 : i32
        %add3A_420 = arith.constant 0 : i32
        %add3A_421 = arith.addi %add3A_420, %mul3A_419 : i32
        %mul3A_422 = arith.constant 16 : i32
        %mul3A_423 = arith.muli %add3A_421, %mul3A_422 : i32
        %get3A = arith.index_cast %mul3A_423 : i32 to index
        %get3A_424 = tpu.vector_load %arg7[%get3A] {strides = array<i32>} : memref<6160xi32, #tpu.memory_space<vmem>>, vector<16xi32>,
        %mul3A_425 = arith.constant 16 : i32
        %mul3A_426 = arith.muli %add3A_421, %mul3A_425 : i32
        %add3A_427 = arith.constant 1 : i32
        %add3A_428 = arith.addi %mul3A_426, %add3A_427 : i32
        %get3A_429 = arith.index_cast %add3A_428 : i32 to index
        %get3A_430 = tpu.vector_load %arg7[%get3A_429] {strides = array<i32>} : memref<6160xi32, #tpu.memory_space<vmem>>, vector<16xi32>,
        %mul3A_431 = arith.constant 16 : i32
        %mul3A_432 = arith.muli %add3A_421, %mul3A_431 : i32
        %get3A_433 = arith.index_cast %mul3A_432 : i32 to index
        %get3A_434 = tpu.vector_load %arg9[%get3A_433] {strides = array<i32>} : memref<6144xf32, #tpu.memory_space<vmem>>, vector<16xf32>,
        %sub3A = vector.broadcast %add3A_91 : i32 to vector<16xi32>
        %sub3A_435 = arith.subi %get3A_424, %sub3A : vector<16xi32>
        %bitcast3A = vector.bitcast %sub3A_435 : vector<16xi32> to vector<16xi32>
        %lt3A_436 = arith.constant 73728 : i32
        %lt3A_437 = vector.broadcast %lt3A_436 : i32 to vector<16xi32>
        %lt3A_438 = arith.cmpi ult, %bitcast3A, %lt3A_437 : vector<16xi32>
        %add3A_439 = arith.constant 6144 : i32
        %add3A_440 = arith.addi %mul3A_86, %add3A_439 : i32
        %mul3A_441 = arith.constant 16 : i32
        %mul3A_442 = arith.muli %add3A_421, %mul3A_441 : i32
        %add3A_443 = arith.addi %add3A_440, %mul3A_442 : i32
        %add3A_444 = vector.broadcast %add3A_443 : i32 to vector<16xi32>
        %add3A_445 = arith.addi %add3A_444, %iota3A : vector<16xi32>
        %ne3A = arith.cmpi ne, %get3A_424, %get3A_430 : vector<16xi32>
        %eq3A = arith.constant 7077887 : i32
        %eq3A_446 = vector.broadcast %eq3A : i32 to vector<16xi32>
        %eq3A_447 = arith.cmpi eq, %add3A_445, %eq3A_446 : vector<16xi32>
        %or3A = arith.ori %ne3A, %eq3A_447 : vector<16xi1>
        %and3A_448 = arith.andi %lt3A_438, %or3A : vector<16xi1>
        tpu.vector_store_idx %arg5[%sub3A_435], %get3A_434 masked %and3A_448 : memref<73728xf32, #tpu.memory_space<vmem>>[vector<16xi32>], vector<16xf32>, vector<16xi1>
        %scan3A_449 = arith.constant 1 : i32
        %scan3A_450 = arith.addi %scan3A_417, %scan3A_449 : i32
        %mul3A_451 = arith.constant 1 : i32
        %mul3A_452 = arith.muli %scan3A_450, %mul3A_451 : i32
        %add3A_453 = arith.constant 0 : i32
        %add3A_454 = arith.addi %add3A_453, %mul3A_452 : i32
        %mul3A_455 = arith.constant 16 : i32
        %mul3A_456 = arith.muli %add3A_454, %mul3A_455 : i32
        %get3A_457 = arith.index_cast %mul3A_456 : i32 to index
        %get3A_458 = tpu.vector_load %arg7[%get3A_457] {strides = array<i32>} : memref<6160xi32, #tpu.memory_space<vmem>>, vector<16xi32>,
        %mul3A_459 = arith.constant 16 : i32
        %mul3A_460 = arith.muli %add3A_454, %mul3A_459 : i32
        %add3A_461 = arith.constant 1 : i32
        %add3A_462 = arith.addi %mul3A_460, %add3A_461 : i32
        %get3A_463 = arith.index_cast %add3A_462 : i32 to index
        %get3A_464 = tpu.vector_load %arg7[%get3A_463] {strides = array<i32>} : memref<6160xi32, #tpu.memory_space<vmem>>, vector<16xi32>,
        %mul3A_465 = arith.constant 16 : i32
        %mul3A_466 = arith.muli %add3A_454, %mul3A_465 : i32
        %get3A_467 = arith.index_cast %mul3A_466 : i32 to index
        %get3A_468 = tpu.vector_load %arg9[%get3A_467] {strides = array<i32>} : memref<6144xf32, #tpu.memory_space<vmem>>, vector<16xf32>,
        %sub3A_469 = vector.broadcast %add3A_91 : i32 to vector<16xi32>
        %sub3A_470 = arith.subi %get3A_458, %sub3A_469 : vector<16xi32>
        %bitcast3A_471 = vector.bitcast %sub3A_470 : vector<16xi32> to vector<16xi32>
        %lt3A_472 = arith.constant 73728 : i32
        %lt3A_473 = vector.broadcast %lt3A_472 : i32 to vector<16xi32>
        %lt3A_474 = arith.cmpi ult, %bitcast3A_471, %lt3A_473 : vector<16xi32>
        %add3A_475 = arith.constant 6144 : i32
        %add3A_476 = arith.addi %mul3A_86, %add3A_475 : i32
        %mul3A_477 = arith.constant 16 : i32
        %mul3A_478 = arith.muli %add3A_454, %mul3A_477 : i32
        %add3A_479 = arith.addi %add3A_476, %mul3A_478 : i32
        %add3A_480 = vector.broadcast %add3A_479 : i32 to vector<16xi32>
        %add3A_481 = arith.addi %add3A_480, %iota3A : vector<16xi32>
        %ne3A_482 = arith.cmpi ne, %get3A_458, %get3A_464 : vector<16xi32>
        %eq3A_483 = arith.constant 7077887 : i32
        %eq3A_484 = vector.broadcast %eq3A_483 : i32 to vector<16xi32>
        %eq3A_485 = arith.cmpi eq, %add3A_481, %eq3A_484 : vector<16xi32>
        %or3A_486 = arith.ori %ne3A_482, %eq3A_485 : vector<16xi1>
        %and3A_487 = arith.andi %lt3A_474, %or3A_486 : vector<16xi1>
        tpu.vector_store_idx %arg5[%sub3A_470], %get3A_468 masked %and3A_487 : memref<73728xf32, #tpu.memory_space<vmem>>[vector<16xi32>], vector<16xf32>, vector<16xi1>
        %scan3A_488 = arith.constant 2 : i32
        %scan3A_489 = arith.addi %scan3A_417, %scan3A_488 : i32
        %mul3A_490 = arith.constant 1 : i32
        %mul3A_491 = arith.muli %scan3A_489, %mul3A_490 : i32
        %add3A_492 = arith.constant 0 : i32
        %add3A_493 = arith.addi %add3A_492, %mul3A_491 : i32
        %mul3A_494 = arith.constant 16 : i32
        %mul3A_495 = arith.muli %add3A_493, %mul3A_494 : i32
        %get3A_496 = arith.index_cast %mul3A_495 : i32 to index
        %get3A_497 = tpu.vector_load %arg7[%get3A_496] {strides = array<i32>} : memref<6160xi32, #tpu.memory_space<vmem>>, vector<16xi32>,
        %mul3A_498 = arith.constant 16 : i32
        %mul3A_499 = arith.muli %add3A_493, %mul3A_498 : i32
        %add3A_500 = arith.constant 1 : i32
        %add3A_501 = arith.addi %mul3A_499, %add3A_500 : i32
        %get3A_502 = arith.index_cast %add3A_501 : i32 to index
        %get3A_503 = tpu.vector_load %arg7[%get3A_502] {strides = array<i32>} : memref<6160xi32, #tpu.memory_space<vmem>>, vector<16xi32>,
        %mul3A_504 = arith.constant 16 : i32
        %mul3A_505 = arith.muli %add3A_493, %mul3A_504 : i32
        %get3A_506 = arith.index_cast %mul3A_505 : i32 to index
        %get3A_507 = tpu.vector_load %arg9[%get3A_506] {strides = array<i32>} : memref<6144xf32, #tpu.memory_space<vmem>>, vector<16xf32>,
        %sub3A_508 = vector.broadcast %add3A_91 : i32 to vector<16xi32>
        %sub3A_509 = arith.subi %get3A_497, %sub3A_508 : vector<16xi32>
        %bitcast3A_510 = vector.bitcast %sub3A_509 : vector<16xi32> to vector<16xi32>
        %lt3A_511 = arith.constant 73728 : i32
        %lt3A_512 = vector.broadcast %lt3A_511 : i32 to vector<16xi32>
        %lt3A_513 = arith.cmpi ult, %bitcast3A_510, %lt3A_512 : vector<16xi32>
        %add3A_514 = arith.constant 6144 : i32
        %add3A_515 = arith.addi %mul3A_86, %add3A_514 : i32
        %mul3A_516 = arith.constant 16 : i32
        %mul3A_517 = arith.muli %add3A_493, %mul3A_516 : i32
        %add3A_518 = arith.addi %add3A_515, %mul3A_517 : i32
        %add3A_519 = vector.broadcast %add3A_518 : i32 to vector<16xi32>
        %add3A_520 = arith.addi %add3A_519, %iota3A : vector<16xi32>
        %ne3A_521 = arith.cmpi ne, %get3A_497, %get3A_503 : vector<16xi32>
        %eq3A_522 = arith.constant 7077887 : i32
        %eq3A_523 = vector.broadcast %eq3A_522 : i32 to vector<16xi32>
        %eq3A_524 = arith.cmpi eq, %add3A_520, %eq3A_523 : vector<16xi32>
        %or3A_525 = arith.ori %ne3A_521, %eq3A_524 : vector<16xi1>
        %and3A_526 = arith.andi %lt3A_513, %or3A_525 : vector<16xi1>
        tpu.vector_store_idx %arg5[%sub3A_509], %get3A_507 masked %and3A_526 : memref<73728xf32, #tpu.memory_space<vmem>>[vector<16xi32>], vector<16xf32>, vector<16xi1>
        %scan3A_527 = arith.constant 3 : i32
        %scan3A_528 = arith.addi %scan3A_417, %scan3A_527 : i32
        %mul3A_529 = arith.constant 1 : i32
        %mul3A_530 = arith.muli %scan3A_528, %mul3A_529 : i32
        %add3A_531 = arith.constant 0 : i32
        %add3A_532 = arith.addi %add3A_531, %mul3A_530 : i32
        %mul3A_533 = arith.constant 16 : i32
        %mul3A_534 = arith.muli %add3A_532, %mul3A_533 : i32
        %get3A_535 = arith.index_cast %mul3A_534 : i32 to index
        %get3A_536 = tpu.vector_load %arg7[%get3A_535] {strides = array<i32>} : memref<6160xi32, #tpu.memory_space<vmem>>, vector<16xi32>,
        %mul3A_537 = arith.constant 16 : i32
        %mul3A_538 = arith.muli %add3A_532, %mul3A_537 : i32
        %add3A_539 = arith.constant 1 : i32
        %add3A_540 = arith.addi %mul3A_538, %add3A_539 : i32
        %get3A_541 = arith.index_cast %add3A_540 : i32 to index
        %get3A_542 = tpu.vector_load %arg7[%get3A_541] {strides = array<i32>} : memref<6160xi32, #tpu.memory_space<vmem>>, vector<16xi32>,
        %mul3A_543 = arith.constant 16 : i32
        %mul3A_544 = arith.muli %add3A_532, %mul3A_543 : i32
        %get3A_545 = arith.index_cast %mul3A_544 : i32 to index
        %get3A_546 = tpu.vector_load %arg9[%get3A_545] {strides = array<i32>} : memref<6144xf32, #tpu.memory_space<vmem>>, vector<16xf32>,
        %sub3A_547 = vector.broadcast %add3A_91 : i32 to vector<16xi32>
        %sub3A_548 = arith.subi %get3A_536, %sub3A_547 : vector<16xi32>
        %bitcast3A_549 = vector.bitcast %sub3A_548 : vector<16xi32> to vector<16xi32>
        %lt3A_550 = arith.constant 73728 : i32
        %lt3A_551 = vector.broadcast %lt3A_550 : i32 to vector<16xi32>
        %lt3A_552 = arith.cmpi ult, %bitcast3A_549, %lt3A_551 : vector<16xi32>
        %add3A_553 = arith.constant 6144 : i32
        %add3A_554 = arith.addi %mul3A_86, %add3A_553 : i32
        %mul3A_555 = arith.constant 16 : i32
        %mul3A_556 = arith.muli %add3A_532, %mul3A_555 : i32
        %add3A_557 = arith.addi %add3A_554, %mul3A_556 : i32
        %add3A_558 = vector.broadcast %add3A_557 : i32 to vector<16xi32>
        %add3A_559 = arith.addi %add3A_558, %iota3A : vector<16xi32>
        %ne3A_560 = arith.cmpi ne, %get3A_536, %get3A_542 : vector<16xi32>
        %eq3A_561 = arith.constant 7077887 : i32
        %eq3A_562 = vector.broadcast %eq3A_561 : i32 to vector<16xi32>
        %eq3A_563 = arith.cmpi eq, %add3A_559, %eq3A_562 : vector<16xi32>
        %or3A_564 = arith.ori %ne3A_560, %eq3A_563 : vector<16xi1>
        %and3A_565 = arith.andi %lt3A_552, %or3A_564 : vector<16xi1>
        tpu.vector_store_idx %arg5[%sub3A_548], %get3A_546 masked %and3A_565 : memref<73728xf32, #tpu.memory_space<vmem>>[vector<16xi32>], vector<16xf32>, vector<16xi1>
      }
      %scan3A_189 = arith.constant 384 : i32
      %mul3A_190 = arith.constant 6 : i32
      %mul3A_191 = arith.muli %add3A, %mul3A_190 : i32
      %shift_right_logical3A_192 = arith.constant 1 : i32
      %shift_right_logical3A_193 = arith.shrui %add3A_77, %shift_right_logical3A_192 : i32
      %add3A_194 = arith.addi %mul3A_191, %shift_right_logical3A_193 : i32
      %mul3A_195 = arith.constant 36864 : i32
      %mul3A_196 = arith.muli %add3A_194, %mul3A_195 : i32
      %add3A_197 = arith.constant 18432 : i32
      %add3A_198 = arith.addi %mul3A_196, %add3A_197 : i32
      %dma_start3A_199 = arith.constant 0 : i32
      %dma_start3A_200 = tpu.memref_slice %arg7[%dma_start3A_199] : memref<6160xi32, #tpu.memory_space<vmem>> -> memref<6144xi32, #tpu.memory_space<vmem>>
      %dma_start3A_201 = tpu.memref_slice %arg2[%add3A_198] : memref<7077888xi32, #tpu.memory_space<hbm>> -> memref<6144xi32, #tpu.memory_space<hbm>>
      %dma_start3A_202 = arith.constant 0 : i32
      %dma_start3A_203 = tpu.memref_slice %arg7[%dma_start3A_202] : memref<6160xi32, #tpu.memory_space<vmem>> -> memref<6144xi32, #tpu.memory_space<vmem>>
      %dma_start3A_204 = tpu.memref_slice %arg2[%add3A_198] : memref<7077888xi32, #tpu.memory_space<hbm>> -> memref<6144xi32, #tpu.memory_space<hbm>>
      tpu.enqueue_dma source(%dma_start3A_204 : memref<6144xi32, #tpu.memory_space<hbm>>) target(%dma_start3A_203 : memref<6144xi32, #tpu.memory_space<vmem>>) target_semaphore(%arg11 : memref<!tpu.dma_semaphore, #tpu.memory_space<semaphore_mem>>)
      %add3A_205 = arith.constant 6144 : i32
      %add3A_206 = arith.addi %add3A_198, %add3A_205 : i32
      %min3A_207 = arith.constant 7077872 : i32
      %min3A_208 = arith.minsi %add3A_206, %min3A_207 : i32
      %dma_start3A_209 = arith.constant 6144 : i32
      %dma_start3A_210 = tpu.memref_slice %arg7[%dma_start3A_209] : memref<6160xi32, #tpu.memory_space<vmem>> -> memref<16xi32, #tpu.memory_space<vmem>>
      %dma_start3A_211 = tpu.memref_slice %arg2[%min3A_208] : memref<7077888xi32, #tpu.memory_space<hbm>> -> memref<16xi32, #tpu.memory_space<hbm>>
      %dma_start3A_212 = arith.constant 6144 : i32
      %dma_start3A_213 = tpu.memref_slice %arg7[%dma_start3A_212] : memref<6160xi32, #tpu.memory_space<vmem>> -> memref<16xi32, #tpu.memory_space<vmem>>
      %dma_start3A_214 = tpu.memref_slice %arg2[%min3A_208] : memref<7077888xi32, #tpu.memory_space<hbm>> -> memref<16xi32, #tpu.memory_space<hbm>>
      tpu.enqueue_dma source(%dma_start3A_214 : memref<16xi32, #tpu.memory_space<hbm>>) target(%dma_start3A_213 : memref<16xi32, #tpu.memory_space<vmem>>) target_semaphore(%arg11 : memref<!tpu.dma_semaphore, #tpu.memory_space<semaphore_mem>>)
      %dma_start3A_215 = tpu.memref_slice %arg3[%add3A_198] : memref<7077888xf32, #tpu.memory_space<hbm>> -> memref<6144xf32, #tpu.memory_space<hbm>>
      %dma_start3A_216 = tpu.memref_slice %arg3[%add3A_198] : memref<7077888xf32, #tpu.memory_space<hbm>> -> memref<6144xf32, #tpu.memory_space<hbm>>
      tpu.enqueue_dma source(%dma_start3A_216 : memref<6144xf32, #tpu.memory_space<hbm>>) target(%arg9 : memref<6144xf32, #tpu.memory_space<vmem>>) target_semaphore(%arg11 : memref<!tpu.dma_semaphore, #tpu.memory_space<semaphore_mem>>)
      %mul3A_217 = arith.constant 6 : i32
      %mul3A_218 = arith.muli %add3A, %mul3A_217 : i32
      %shift_right_logical3A_219 = arith.constant 1 : i32
      %shift_right_logical3A_220 = arith.shrui %add3A_77, %shift_right_logical3A_219 : i32
      %add3A_221 = arith.addi %mul3A_218, %shift_right_logical3A_220 : i32
      %mul3A_222 = arith.constant 36864 : i32
      %mul3A_223 = arith.muli %add3A_221, %mul3A_222 : i32
      %add3A_224 = arith.constant 12288 : i32
      %add3A_225 = arith.addi %mul3A_223, %add3A_224 : i32
      %dma_wait3A_226 = arith.constant 0 : i32
      %dma_wait3A_227 = tpu.memref_slice %arg6[%dma_wait3A_226] : memref<6160xi32, #tpu.memory_space<vmem>> -> memref<6144xi32, #tpu.memory_space<vmem>>
      %dma_wait3A_228 = tpu.memref_slice %arg2[%add3A_225] : memref<7077888xi32, #tpu.memory_space<hbm>> -> memref<6144xi32, #tpu.memory_space<hbm>>
      %dma_wait3A_229 = arith.constant 0 : i32
      %dma_wait3A_230 = tpu.memref_slice %arg6[%dma_wait3A_229] : memref<6160xi32, #tpu.memory_space<vmem>> -> memref<6144xi32, #tpu.memory_space<vmem>>
      %dma_wait3A_231 = tpu.memref_slice %arg2[%add3A_225] : memref<7077888xi32, #tpu.memory_space<hbm>> -> memref<6144xi32, #tpu.memory_space<hbm>>
      tpu.wait_dma2 semaphore(%arg10 : memref<!tpu.dma_semaphore, #tpu.memory_space<semaphore_mem>>) src(%dma_wait3A_231 : memref<6144xi32, #tpu.memory_space<hbm>>) dst(%dma_wait3A_230 : memref<6144xi32, #tpu.memory_space<vmem>>)
      %add3A_232 = arith.constant 6144 : i32
      %add3A_233 = arith.addi %add3A_225, %add3A_232 : i32
      %min3A_234 = arith.constant 7077872 : i32
      %min3A_235 = arith.minsi %add3A_233, %min3A_234 : i32
      %dma_wait3A_236 = arith.constant 6144 : i32
      %dma_wait3A_237 = tpu.memref_slice %arg6[%dma_wait3A_236] : memref<6160xi32, #tpu.memory_space<vmem>> -> memref<16xi32, #tpu.memory_space<vmem>>
      %dma_wait3A_238 = tpu.memref_slice %arg2[%min3A_235] : memref<7077888xi32, #tpu.memory_space<hbm>> -> memref<16xi32, #tpu.memory_space<hbm>>
      %dma_wait3A_239 = arith.constant 6144 : i32
      %dma_wait3A_240 = tpu.memref_slice %arg6[%dma_wait3A_239] : memref<6160xi32, #tpu.memory_space<vmem>> -> memref<16xi32, #tpu.memory_space<vmem>>
      %dma_wait3A_241 = tpu.memref_slice %arg2[%min3A_235] : memref<7077888xi32, #tpu.memory_space<hbm>> -> memref<16xi32, #tpu.memory_space<hbm>>
      tpu.wait_dma2 semaphore(%arg10 : memref<!tpu.dma_semaphore, #tpu.memory_space<semaphore_mem>>) src(%dma_wait3A_241 : memref<16xi32, #tpu.memory_space<hbm>>) dst(%dma_wait3A_240 : memref<16xi32, #tpu.memory_space<vmem>>)
      %dma_wait3A_242 = tpu.memref_slice %arg3[%add3A_225] : memref<7077888xf32, #tpu.memory_space<hbm>> -> memref<6144xf32, #tpu.memory_space<hbm>>
      %dma_wait3A_243 = tpu.memref_slice %arg3[%add3A_225] : memref<7077888xf32, #tpu.memory_space<hbm>> -> memref<6144xf32, #tpu.memory_space<hbm>>
      tpu.wait_dma2 semaphore(%arg10 : memref<!tpu.dma_semaphore, #tpu.memory_space<semaphore_mem>>) src(%dma_wait3A_243 : memref<6144xf32, #tpu.memory_space<hbm>>) dst(%arg8 : memref<6144xf32, #tpu.memory_space<vmem>>)
      %scan3A_244 = arith.constant 0 : i32
      %scan3A_245 = arith.constant 384 : i32
      %scan3A_246 = arith.addi %scan3A_244, %scan3A_245 : i32
      %scan3A_247 = arith.constant 4 : i32
      scf.for %scan3A_417 = %scan3A_244 to %scan3A_246 step %scan3A_247  : i32 {
        %mul3A_418 = arith.constant 1 : i32
        %mul3A_419 = arith.muli %scan3A_417, %mul3A_418 : i32
        %add3A_420 = arith.constant 0 : i32
        %add3A_421 = arith.addi %add3A_420, %mul3A_419 : i32
        %mul3A_422 = arith.constant 16 : i32
        %mul3A_423 = arith.muli %add3A_421, %mul3A_422 : i32
        %get3A = arith.index_cast %mul3A_423 : i32 to index
        %get3A_424 = tpu.vector_load %arg6[%get3A] {strides = array<i32>} : memref<6160xi32, #tpu.memory_space<vmem>>, vector<16xi32>,
        %mul3A_425 = arith.constant 16 : i32
        %mul3A_426 = arith.muli %add3A_421, %mul3A_425 : i32
        %add3A_427 = arith.constant 1 : i32
        %add3A_428 = arith.addi %mul3A_426, %add3A_427 : i32
        %get3A_429 = arith.index_cast %add3A_428 : i32 to index
        %get3A_430 = tpu.vector_load %arg6[%get3A_429] {strides = array<i32>} : memref<6160xi32, #tpu.memory_space<vmem>>, vector<16xi32>,
        %mul3A_431 = arith.constant 16 : i32
        %mul3A_432 = arith.muli %add3A_421, %mul3A_431 : i32
        %get3A_433 = arith.index_cast %mul3A_432 : i32 to index
        %get3A_434 = tpu.vector_load %arg8[%get3A_433] {strides = array<i32>} : memref<6144xf32, #tpu.memory_space<vmem>>, vector<16xf32>,
        %sub3A = vector.broadcast %add3A_91 : i32 to vector<16xi32>
        %sub3A_435 = arith.subi %get3A_424, %sub3A : vector<16xi32>
        %bitcast3A = vector.bitcast %sub3A_435 : vector<16xi32> to vector<16xi32>
        %lt3A_436 = arith.constant 73728 : i32
        %lt3A_437 = vector.broadcast %lt3A_436 : i32 to vector<16xi32>
        %lt3A_438 = arith.cmpi ult, %bitcast3A, %lt3A_437 : vector<16xi32>
        %add3A_439 = arith.constant 12288 : i32
        %add3A_440 = arith.addi %mul3A_86, %add3A_439 : i32
        %mul3A_441 = arith.constant 16 : i32
        %mul3A_442 = arith.muli %add3A_421, %mul3A_441 : i32
        %add3A_443 = arith.addi %add3A_440, %mul3A_442 : i32
        %add3A_444 = vector.broadcast %add3A_443 : i32 to vector<16xi32>
        %add3A_445 = arith.addi %add3A_444, %iota3A : vector<16xi32>
        %ne3A = arith.cmpi ne, %get3A_424, %get3A_430 : vector<16xi32>
        %eq3A = arith.constant 7077887 : i32
        %eq3A_446 = vector.broadcast %eq3A : i32 to vector<16xi32>
        %eq3A_447 = arith.cmpi eq, %add3A_445, %eq3A_446 : vector<16xi32>
        %or3A = arith.ori %ne3A, %eq3A_447 : vector<16xi1>
        %and3A_448 = arith.andi %lt3A_438, %or3A : vector<16xi1>
        tpu.vector_store_idx %arg5[%sub3A_435], %get3A_434 masked %and3A_448 : memref<73728xf32, #tpu.memory_space<vmem>>[vector<16xi32>], vector<16xf32>, vector<16xi1>
        %scan3A_449 = arith.constant 1 : i32
        %scan3A_450 = arith.addi %scan3A_417, %scan3A_449 : i32
        %mul3A_451 = arith.constant 1 : i32
        %mul3A_452 = arith.muli %scan3A_450, %mul3A_451 : i32
        %add3A_453 = arith.constant 0 : i32
        %add3A_454 = arith.addi %add3A_453, %mul3A_452 : i32
        %mul3A_455 = arith.constant 16 : i32
        %mul3A_456 = arith.muli %add3A_454, %mul3A_455 : i32
        %get3A_457 = arith.index_cast %mul3A_456 : i32 to index
        %get3A_458 = tpu.vector_load %arg6[%get3A_457] {strides = array<i32>} : memref<6160xi32, #tpu.memory_space<vmem>>, vector<16xi32>,
        %mul3A_459 = arith.constant 16 : i32
        %mul3A_460 = arith.muli %add3A_454, %mul3A_459 : i32
        %add3A_461 = arith.constant 1 : i32
        %add3A_462 = arith.addi %mul3A_460, %add3A_461 : i32
        %get3A_463 = arith.index_cast %add3A_462 : i32 to index
        %get3A_464 = tpu.vector_load %arg6[%get3A_463] {strides = array<i32>} : memref<6160xi32, #tpu.memory_space<vmem>>, vector<16xi32>,
        %mul3A_465 = arith.constant 16 : i32
        %mul3A_466 = arith.muli %add3A_454, %mul3A_465 : i32
        %get3A_467 = arith.index_cast %mul3A_466 : i32 to index
        %get3A_468 = tpu.vector_load %arg8[%get3A_467] {strides = array<i32>} : memref<6144xf32, #tpu.memory_space<vmem>>, vector<16xf32>,
        %sub3A_469 = vector.broadcast %add3A_91 : i32 to vector<16xi32>
        %sub3A_470 = arith.subi %get3A_458, %sub3A_469 : vector<16xi32>
        %bitcast3A_471 = vector.bitcast %sub3A_470 : vector<16xi32> to vector<16xi32>
        %lt3A_472 = arith.constant 73728 : i32
        %lt3A_473 = vector.broadcast %lt3A_472 : i32 to vector<16xi32>
        %lt3A_474 = arith.cmpi ult, %bitcast3A_471, %lt3A_473 : vector<16xi32>
        %add3A_475 = arith.constant 12288 : i32
        %add3A_476 = arith.addi %mul3A_86, %add3A_475 : i32
        %mul3A_477 = arith.constant 16 : i32
        %mul3A_478 = arith.muli %add3A_454, %mul3A_477 : i32
        %add3A_479 = arith.addi %add3A_476, %mul3A_478 : i32
        %add3A_480 = vector.broadcast %add3A_479 : i32 to vector<16xi32>
        %add3A_481 = arith.addi %add3A_480, %iota3A : vector<16xi32>
        %ne3A_482 = arith.cmpi ne, %get3A_458, %get3A_464 : vector<16xi32>
        %eq3A_483 = arith.constant 7077887 : i32
        %eq3A_484 = vector.broadcast %eq3A_483 : i32 to vector<16xi32>
        %eq3A_485 = arith.cmpi eq, %add3A_481, %eq3A_484 : vector<16xi32>
        %or3A_486 = arith.ori %ne3A_482, %eq3A_485 : vector<16xi1>
        %and3A_487 = arith.andi %lt3A_474, %or3A_486 : vector<16xi1>
        tpu.vector_store_idx %arg5[%sub3A_470], %get3A_468 masked %and3A_487 : memref<73728xf32, #tpu.memory_space<vmem>>[vector<16xi32>], vector<16xf32>, vector<16xi1>
        %scan3A_488 = arith.constant 2 : i32
        %scan3A_489 = arith.addi %scan3A_417, %scan3A_488 : i32
        %mul3A_490 = arith.constant 1 : i32
        %mul3A_491 = arith.muli %scan3A_489, %mul3A_490 : i32
        %add3A_492 = arith.constant 0 : i32
        %add3A_493 = arith.addi %add3A_492, %mul3A_491 : i32
        %mul3A_494 = arith.constant 16 : i32
        %mul3A_495 = arith.muli %add3A_493, %mul3A_494 : i32
        %get3A_496 = arith.index_cast %mul3A_495 : i32 to index
        %get3A_497 = tpu.vector_load %arg6[%get3A_496] {strides = array<i32>} : memref<6160xi32, #tpu.memory_space<vmem>>, vector<16xi32>,
        %mul3A_498 = arith.constant 16 : i32
        %mul3A_499 = arith.muli %add3A_493, %mul3A_498 : i32
        %add3A_500 = arith.constant 1 : i32
        %add3A_501 = arith.addi %mul3A_499, %add3A_500 : i32
        %get3A_502 = arith.index_cast %add3A_501 : i32 to index
        %get3A_503 = tpu.vector_load %arg6[%get3A_502] {strides = array<i32>} : memref<6160xi32, #tpu.memory_space<vmem>>, vector<16xi32>,
        %mul3A_504 = arith.constant 16 : i32
        %mul3A_505 = arith.muli %add3A_493, %mul3A_504 : i32
        %get3A_506 = arith.index_cast %mul3A_505 : i32 to index
        %get3A_507 = tpu.vector_load %arg8[%get3A_506] {strides = array<i32>} : memref<6144xf32, #tpu.memory_space<vmem>>, vector<16xf32>,
        %sub3A_508 = vector.broadcast %add3A_91 : i32 to vector<16xi32>
        %sub3A_509 = arith.subi %get3A_497, %sub3A_508 : vector<16xi32>
        %bitcast3A_510 = vector.bitcast %sub3A_509 : vector<16xi32> to vector<16xi32>
        %lt3A_511 = arith.constant 73728 : i32
        %lt3A_512 = vector.broadcast %lt3A_511 : i32 to vector<16xi32>
        %lt3A_513 = arith.cmpi ult, %bitcast3A_510, %lt3A_512 : vector<16xi32>
        %add3A_514 = arith.constant 12288 : i32
        %add3A_515 = arith.addi %mul3A_86, %add3A_514 : i32
        %mul3A_516 = arith.constant 16 : i32
        %mul3A_517 = arith.muli %add3A_493, %mul3A_516 : i32
        %add3A_518 = arith.addi %add3A_515, %mul3A_517 : i32
        %add3A_519 = vector.broadcast %add3A_518 : i32 to vector<16xi32>
        %add3A_520 = arith.addi %add3A_519, %iota3A : vector<16xi32>
        %ne3A_521 = arith.cmpi ne, %get3A_497, %get3A_503 : vector<16xi32>
        %eq3A_522 = arith.constant 7077887 : i32
        %eq3A_523 = vector.broadcast %eq3A_522 : i32 to vector<16xi32>
        %eq3A_524 = arith.cmpi eq, %add3A_520, %eq3A_523 : vector<16xi32>
        %or3A_525 = arith.ori %ne3A_521, %eq3A_524 : vector<16xi1>
        %and3A_526 = arith.andi %lt3A_513, %or3A_525 : vector<16xi1>
        tpu.vector_store_idx %arg5[%sub3A_509], %get3A_507 masked %and3A_526 : memref<73728xf32, #tpu.memory_space<vmem>>[vector<16xi32>], vector<16xf32>, vector<16xi1>
        %scan3A_527 = arith.constant 3 : i32
        %scan3A_528 = arith.addi %scan3A_417, %scan3A_527 : i32
        %mul3A_529 = arith.constant 1 : i32
        %mul3A_530 = arith.muli %scan3A_528, %mul3A_529 : i32
        %add3A_531 = arith.constant 0 : i32
        %add3A_532 = arith.addi %add3A_531, %mul3A_530 : i32
        %mul3A_533 = arith.constant 16 : i32
        %mul3A_534 = arith.muli %add3A_532, %mul3A_533 : i32
        %get3A_535 = arith.index_cast %mul3A_534 : i32 to index
        %get3A_536 = tpu.vector_load %arg6[%get3A_535] {strides = array<i32>} : memref<6160xi32, #tpu.memory_space<vmem>>, vector<16xi32>,
        %mul3A_537 = arith.constant 16 : i32
        %mul3A_538 = arith.muli %add3A_532, %mul3A_537 : i32
        %add3A_539 = arith.constant 1 : i32
        %add3A_540 = arith.addi %mul3A_538, %add3A_539 : i32
        %get3A_541 = arith.index_cast %add3A_540 : i32 to index
        %get3A_542 = tpu.vector_load %arg6[%get3A_541] {strides = array<i32>} : memref<6160xi32, #tpu.memory_space<vmem>>, vector<16xi32>,
        %mul3A_543 = arith.constant 16 : i32
        %mul3A_544 = arith.muli %add3A_532, %mul3A_543 : i32
        %get3A_545 = arith.index_cast %mul3A_544 : i32 to index
        %get3A_546 = tpu.vector_load %arg8[%get3A_545] {strides = array<i32>} : memref<6144xf32, #tpu.memory_space<vmem>>, vector<16xf32>,
        %sub3A_547 = vector.broadcast %add3A_91 : i32 to vector<16xi32>
        %sub3A_548 = arith.subi %get3A_536, %sub3A_547 : vector<16xi32>
        %bitcast3A_549 = vector.bitcast %sub3A_548 : vector<16xi32> to vector<16xi32>
        %lt3A_550 = arith.constant 73728 : i32
        %lt3A_551 = vector.broadcast %lt3A_550 : i32 to vector<16xi32>
        %lt3A_552 = arith.cmpi ult, %bitcast3A_549, %lt3A_551 : vector<16xi32>
        %add3A_553 = arith.constant 12288 : i32
        %add3A_554 = arith.addi %mul3A_86, %add3A_553 : i32
        %mul3A_555 = arith.constant 16 : i32
        %mul3A_556 = arith.muli %add3A_532, %mul3A_555 : i32
        %add3A_557 = arith.addi %add3A_554, %mul3A_556 : i32
        %add3A_558 = vector.broadcast %add3A_557 : i32 to vector<16xi32>
        %add3A_559 = arith.addi %add3A_558, %iota3A : vector<16xi32>
        %ne3A_560 = arith.cmpi ne, %get3A_536, %get3A_542 : vector<16xi32>
        %eq3A_561 = arith.constant 7077887 : i32
        %eq3A_562 = vector.broadcast %eq3A_561 : i32 to vector<16xi32>
        %eq3A_563 = arith.cmpi eq, %add3A_559, %eq3A_562 : vector<16xi32>
        %or3A_564 = arith.ori %ne3A_560, %eq3A_563 : vector<16xi1>
        %and3A_565 = arith.andi %lt3A_552, %or3A_564 : vector<16xi1>
        tpu.vector_store_idx %arg5[%sub3A_548], %get3A_546 masked %and3A_565 : memref<73728xf32, #tpu.memory_space<vmem>>[vector<16xi32>], vector<16xf32>, vector<16xi1>
      }
      %scan3A_248 = arith.constant 384 : i32
      %mul3A_249 = arith.constant 6 : i32
      %mul3A_250 = arith.muli %add3A, %mul3A_249 : i32
      %shift_right_logical3A_251 = arith.constant 1 : i32
      %shift_right_logical3A_252 = arith.shrui %add3A_77, %shift_right_logical3A_251 : i32
      %add3A_253 = arith.addi %mul3A_250, %shift_right_logical3A_252 : i32
      %mul3A_254 = arith.constant 36864 : i32
      %mul3A_255 = arith.muli %add3A_253, %mul3A_254 : i32
      %add3A_256 = arith.constant 24576 : i32
      %add3A_257 = arith.addi %mul3A_255, %add3A_256 : i32
      %dma_start3A_258 = arith.constant 0 : i32
      %dma_start3A_259 = tpu.memref_slice %arg6[%dma_start3A_258] : memref<6160xi32, #tpu.memory_space<vmem>> -> memref<6144xi32, #tpu.memory_space<vmem>>
      %dma_start3A_260 = tpu.memref_slice %arg2[%add3A_257] : memref<7077888xi32, #tpu.memory_space<hbm>> -> memref<6144xi32, #tpu.memory_space<hbm>>
      %dma_start3A_261 = arith.constant 0 : i32
      %dma_start3A_262 = tpu.memref_slice %arg6[%dma_start3A_261] : memref<6160xi32, #tpu.memory_space<vmem>> -> memref<6144xi32, #tpu.memory_space<vmem>>
      %dma_start3A_263 = tpu.memref_slice %arg2[%add3A_257] : memref<7077888xi32, #tpu.memory_space<hbm>> -> memref<6144xi32, #tpu.memory_space<hbm>>
      tpu.enqueue_dma source(%dma_start3A_263 : memref<6144xi32, #tpu.memory_space<hbm>>) target(%dma_start3A_262 : memref<6144xi32, #tpu.memory_space<vmem>>) target_semaphore(%arg10 : memref<!tpu.dma_semaphore, #tpu.memory_space<semaphore_mem>>)
      %add3A_264 = arith.constant 6144 : i32
      %add3A_265 = arith.addi %add3A_257, %add3A_264 : i32
      %min3A_266 = arith.constant 7077872 : i32
      %min3A_267 = arith.minsi %add3A_265, %min3A_266 : i32
      %dma_start3A_268 = arith.constant 6144 : i32
      %dma_start3A_269 = tpu.memref_slice %arg6[%dma_start3A_268] : memref<6160xi32, #tpu.memory_space<vmem>> -> memref<16xi32, #tpu.memory_space<vmem>>
      %dma_start3A_270 = tpu.memref_slice %arg2[%min3A_267] : memref<7077888xi32, #tpu.memory_space<hbm>> -> memref<16xi32, #tpu.memory_space<hbm>>
      %dma_start3A_271 = arith.constant 6144 : i32
      %dma_start3A_272 = tpu.memref_slice %arg6[%dma_start3A_271] : memref<6160xi32, #tpu.memory_space<vmem>> -> memref<16xi32, #tpu.memory_space<vmem>>
      %dma_start3A_273 = tpu.memref_slice %arg2[%min3A_267] : memref<7077888xi32, #tpu.memory_space<hbm>> -> memref<16xi32, #tpu.memory_space<hbm>>
      tpu.enqueue_dma source(%dma_start3A_273 : memref<16xi32, #tpu.memory_space<hbm>>) target(%dma_start3A_272 : memref<16xi32, #tpu.memory_space<vmem>>) target_semaphore(%arg10 : memref<!tpu.dma_semaphore, #tpu.memory_space<semaphore_mem>>)
      %dma_start3A_274 = tpu.memref_slice %arg3[%add3A_257] : memref<7077888xf32, #tpu.memory_space<hbm>> -> memref<6144xf32, #tpu.memory_space<hbm>>
      %dma_start3A_275 = tpu.memref_slice %arg3[%add3A_257] : memref<7077888xf32, #tpu.memory_space<hbm>> -> memref<6144xf32, #tpu.memory_space<hbm>>
      tpu.enqueue_dma source(%dma_start3A_275 : memref<6144xf32, #tpu.memory_space<hbm>>) target(%arg8 : memref<6144xf32, #tpu.memory_space<vmem>>) target_semaphore(%arg10 : memref<!tpu.dma_semaphore, #tpu.memory_space<semaphore_mem>>)
      %mul3A_276 = arith.constant 6 : i32
      %mul3A_277 = arith.muli %add3A, %mul3A_276 : i32
      %shift_right_logical3A_278 = arith.constant 1 : i32
      %shift_right_logical3A_279 = arith.shrui %add3A_77, %shift_right_logical3A_278 : i32
      %add3A_280 = arith.addi %mul3A_277, %shift_right_logical3A_279 : i32
      %mul3A_281 = arith.constant 36864 : i32
      %mul3A_282 = arith.muli %add3A_280, %mul3A_281 : i32
      %add3A_283 = arith.constant 18432 : i32
      %add3A_284 = arith.addi %mul3A_282, %add3A_283 : i32
      %dma_wait3A_285 = arith.constant 0 : i32
      %dma_wait3A_286 = tpu.memref_slice %arg7[%dma_wait3A_285] : memref<6160xi32, #tpu.memory_space<vmem>> -> memref<6144xi32, #tpu.memory_space<vmem>>
      %dma_wait3A_287 = tpu.memref_slice %arg2[%add3A_284] : memref<7077888xi32, #tpu.memory_space<hbm>> -> memref<6144xi32, #tpu.memory_space<hbm>>
      %dma_wait3A_288 = arith.constant 0 : i32
      %dma_wait3A_289 = tpu.memref_slice %arg7[%dma_wait3A_288] : memref<6160xi32, #tpu.memory_space<vmem>> -> memref<6144xi32, #tpu.memory_space<vmem>>
      %dma_wait3A_290 = tpu.memref_slice %arg2[%add3A_284] : memref<7077888xi32, #tpu.memory_space<hbm>> -> memref<6144xi32, #tpu.memory_space<hbm>>
      tpu.wait_dma2 semaphore(%arg11 : memref<!tpu.dma_semaphore, #tpu.memory_space<semaphore_mem>>) src(%dma_wait3A_290 : memref<6144xi32, #tpu.memory_space<hbm>>) dst(%dma_wait3A_289 : memref<6144xi32, #tpu.memory_space<vmem>>)
      %add3A_291 = arith.constant 6144 : i32
      %add3A_292 = arith.addi %add3A_284, %add3A_291 : i32
      %min3A_293 = arith.constant 7077872 : i32
      %min3A_294 = arith.minsi %add3A_292, %min3A_293 : i32
      %dma_wait3A_295 = arith.constant 6144 : i32
      %dma_wait3A_296 = tpu.memref_slice %arg7[%dma_wait3A_295] : memref<6160xi32, #tpu.memory_space<vmem>> -> memref<16xi32, #tpu.memory_space<vmem>>
      %dma_wait3A_297 = tpu.memref_slice %arg2[%min3A_294] : memref<7077888xi32, #tpu.memory_space<hbm>> -> memref<16xi32, #tpu.memory_space<hbm>>
      %dma_wait3A_298 = arith.constant 6144 : i32
      %dma_wait3A_299 = tpu.memref_slice %arg7[%dma_wait3A_298] : memref<6160xi32, #tpu.memory_space<vmem>> -> memref<16xi32, #tpu.memory_space<vmem>>
      %dma_wait3A_300 = tpu.memref_slice %arg2[%min3A_294] : memref<7077888xi32, #tpu.memory_space<hbm>> -> memref<16xi32, #tpu.memory_space<hbm>>
      tpu.wait_dma2 semaphore(%arg11 : memref<!tpu.dma_semaphore, #tpu.memory_space<semaphore_mem>>) src(%dma_wait3A_300 : memref<16xi32, #tpu.memory_space<hbm>>) dst(%dma_wait3A_299 : memref<16xi32, #tpu.memory_space<vmem>>)
      %dma_wait3A_301 = tpu.memref_slice %arg3[%add3A_284] : memref<7077888xf32, #tpu.memory_space<hbm>> -> memref<6144xf32, #tpu.memory_space<hbm>>
      %dma_wait3A_302 = tpu.memref_slice %arg3[%add3A_284] : memref<7077888xf32, #tpu.memory_space<hbm>> -> memref<6144xf32, #tpu.memory_space<hbm>>
      tpu.wait_dma2 semaphore(%arg11 : memref<!tpu.dma_semaphore, #tpu.memory_space<semaphore_mem>>) src(%dma_wait3A_302 : memref<6144xf32, #tpu.memory_space<hbm>>) dst(%arg9 : memref<6144xf32, #tpu.memory_space<vmem>>)
      %scan3A_303 = arith.constant 0 : i32
      %scan3A_304 = arith.constant 384 : i32
      %scan3A_305 = arith.addi %scan3A_303, %scan3A_304 : i32
      %scan3A_306 = arith.constant 4 : i32
      scf.for %scan3A_417 = %scan3A_303 to %scan3A_305 step %scan3A_306  : i32 {
        %mul3A_418 = arith.constant 1 : i32
        %mul3A_419 = arith.muli %scan3A_417, %mul3A_418 : i32
        %add3A_420 = arith.constant 0 : i32
        %add3A_421 = arith.addi %add3A_420, %mul3A_419 : i32
        %mul3A_422 = arith.constant 16 : i32
        %mul3A_423 = arith.muli %add3A_421, %mul3A_422 : i32
        %get3A = arith.index_cast %mul3A_423 : i32 to index
        %get3A_424 = tpu.vector_load %arg7[%get3A] {strides = array<i32>} : memref<6160xi32, #tpu.memory_space<vmem>>, vector<16xi32>,
        %mul3A_425 = arith.constant 16 : i32
        %mul3A_426 = arith.muli %add3A_421, %mul3A_425 : i32
        %add3A_427 = arith.constant 1 : i32
        %add3A_428 = arith.addi %mul3A_426, %add3A_427 : i32
        %get3A_429 = arith.index_cast %add3A_428 : i32 to index
        %get3A_430 = tpu.vector_load %arg7[%get3A_429] {strides = array<i32>} : memref<6160xi32, #tpu.memory_space<vmem>>, vector<16xi32>,
        %mul3A_431 = arith.constant 16 : i32
        %mul3A_432 = arith.muli %add3A_421, %mul3A_431 : i32
        %get3A_433 = arith.index_cast %mul3A_432 : i32 to index
        %get3A_434 = tpu.vector_load %arg9[%get3A_433] {strides = array<i32>} : memref<6144xf32, #tpu.memory_space<vmem>>, vector<16xf32>,
        %sub3A = vector.broadcast %add3A_91 : i32 to vector<16xi32>
        %sub3A_435 = arith.subi %get3A_424, %sub3A : vector<16xi32>
        %bitcast3A = vector.bitcast %sub3A_435 : vector<16xi32> to vector<16xi32>
        %lt3A_436 = arith.constant 73728 : i32
        %lt3A_437 = vector.broadcast %lt3A_436 : i32 to vector<16xi32>
        %lt3A_438 = arith.cmpi ult, %bitcast3A, %lt3A_437 : vector<16xi32>
        %add3A_439 = arith.constant 18432 : i32
        %add3A_440 = arith.addi %mul3A_86, %add3A_439 : i32
        %mul3A_441 = arith.constant 16 : i32
        %mul3A_442 = arith.muli %add3A_421, %mul3A_441 : i32
        %add3A_443 = arith.addi %add3A_440, %mul3A_442 : i32
        %add3A_444 = vector.broadcast %add3A_443 : i32 to vector<16xi32>
        %add3A_445 = arith.addi %add3A_444, %iota3A : vector<16xi32>
        %ne3A = arith.cmpi ne, %get3A_424, %get3A_430 : vector<16xi32>
        %eq3A = arith.constant 7077887 : i32
        %eq3A_446 = vector.broadcast %eq3A : i32 to vector<16xi32>
        %eq3A_447 = arith.cmpi eq, %add3A_445, %eq3A_446 : vector<16xi32>
        %or3A = arith.ori %ne3A, %eq3A_447 : vector<16xi1>
        %and3A_448 = arith.andi %lt3A_438, %or3A : vector<16xi1>
        tpu.vector_store_idx %arg5[%sub3A_435], %get3A_434 masked %and3A_448 : memref<73728xf32, #tpu.memory_space<vmem>>[vector<16xi32>], vector<16xf32>, vector<16xi1>
        %scan3A_449 = arith.constant 1 : i32
        %scan3A_450 = arith.addi %scan3A_417, %scan3A_449 : i32
        %mul3A_451 = arith.constant 1 : i32
        %mul3A_452 = arith.muli %scan3A_450, %mul3A_451 : i32
        %add3A_453 = arith.constant 0 : i32
        %add3A_454 = arith.addi %add3A_453, %mul3A_452 : i32
        %mul3A_455 = arith.constant 16 : i32
        %mul3A_456 = arith.muli %add3A_454, %mul3A_455 : i32
        %get3A_457 = arith.index_cast %mul3A_456 : i32 to index
        %get3A_458 = tpu.vector_load %arg7[%get3A_457] {strides = array<i32>} : memref<6160xi32, #tpu.memory_space<vmem>>, vector<16xi32>,
        %mul3A_459 = arith.constant 16 : i32
        %mul3A_460 = arith.muli %add3A_454, %mul3A_459 : i32
        %add3A_461 = arith.constant 1 : i32
        %add3A_462 = arith.addi %mul3A_460, %add3A_461 : i32
        %get3A_463 = arith.index_cast %add3A_462 : i32 to index
        %get3A_464 = tpu.vector_load %arg7[%get3A_463] {strides = array<i32>} : memref<6160xi32, #tpu.memory_space<vmem>>, vector<16xi32>,
        %mul3A_465 = arith.constant 16 : i32
        %mul3A_466 = arith.muli %add3A_454, %mul3A_465 : i32
        %get3A_467 = arith.index_cast %mul3A_466 : i32 to index
        %get3A_468 = tpu.vector_load %arg9[%get3A_467] {strides = array<i32>} : memref<6144xf32, #tpu.memory_space<vmem>>, vector<16xf32>,
        %sub3A_469 = vector.broadcast %add3A_91 : i32 to vector<16xi32>
        %sub3A_470 = arith.subi %get3A_458, %sub3A_469 : vector<16xi32>
        %bitcast3A_471 = vector.bitcast %sub3A_470 : vector<16xi32> to vector<16xi32>
        %lt3A_472 = arith.constant 73728 : i32
        %lt3A_473 = vector.broadcast %lt3A_472 : i32 to vector<16xi32>
        %lt3A_474 = arith.cmpi ult, %bitcast3A_471, %lt3A_473 : vector<16xi32>
        %add3A_475 = arith.constant 18432 : i32
        %add3A_476 = arith.addi %mul3A_86, %add3A_475 : i32
        %mul3A_477 = arith.constant 16 : i32
        %mul3A_478 = arith.muli %add3A_454, %mul3A_477 : i32
        %add3A_479 = arith.addi %add3A_476, %mul3A_478 : i32
        %add3A_480 = vector.broadcast %add3A_479 : i32 to vector<16xi32>
        %add3A_481 = arith.addi %add3A_480, %iota3A : vector<16xi32>
        %ne3A_482 = arith.cmpi ne, %get3A_458, %get3A_464 : vector<16xi32>
        %eq3A_483 = arith.constant 7077887 : i32
        %eq3A_484 = vector.broadcast %eq3A_483 : i32 to vector<16xi32>
        %eq3A_485 = arith.cmpi eq, %add3A_481, %eq3A_484 : vector<16xi32>
        %or3A_486 = arith.ori %ne3A_482, %eq3A_485 : vector<16xi1>
        %and3A_487 = arith.andi %lt3A_474, %or3A_486 : vector<16xi1>
        tpu.vector_store_idx %arg5[%sub3A_470], %get3A_468 masked %and3A_487 : memref<73728xf32, #tpu.memory_space<vmem>>[vector<16xi32>], vector<16xf32>, vector<16xi1>
        %scan3A_488 = arith.constant 2 : i32
        %scan3A_489 = arith.addi %scan3A_417, %scan3A_488 : i32
        %mul3A_490 = arith.constant 1 : i32
        %mul3A_491 = arith.muli %scan3A_489, %mul3A_490 : i32
        %add3A_492 = arith.constant 0 : i32
        %add3A_493 = arith.addi %add3A_492, %mul3A_491 : i32
        %mul3A_494 = arith.constant 16 : i32
        %mul3A_495 = arith.muli %add3A_493, %mul3A_494 : i32
        %get3A_496 = arith.index_cast %mul3A_495 : i32 to index
        %get3A_497 = tpu.vector_load %arg7[%get3A_496] {strides = array<i32>} : memref<6160xi32, #tpu.memory_space<vmem>>, vector<16xi32>,
        %mul3A_498 = arith.constant 16 : i32
        %mul3A_499 = arith.muli %add3A_493, %mul3A_498 : i32
        %add3A_500 = arith.constant 1 : i32
        %add3A_501 = arith.addi %mul3A_499, %add3A_500 : i32
        %get3A_502 = arith.index_cast %add3A_501 : i32 to index
        %get3A_503 = tpu.vector_load %arg7[%get3A_502] {strides = array<i32>} : memref<6160xi32, #tpu.memory_space<vmem>>, vector<16xi32>,
        %mul3A_504 = arith.constant 16 : i32
        %mul3A_505 = arith.muli %add3A_493, %mul3A_504 : i32
        %get3A_506 = arith.index_cast %mul3A_505 : i32 to index
        %get3A_507 = tpu.vector_load %arg9[%get3A_506] {strides = array<i32>} : memref<6144xf32, #tpu.memory_space<vmem>>, vector<16xf32>,
        %sub3A_508 = vector.broadcast %add3A_91 : i32 to vector<16xi32>
        %sub3A_509 = arith.subi %get3A_497, %sub3A_508 : vector<16xi32>
        %bitcast3A_510 = vector.bitcast %sub3A_509 : vector<16xi32> to vector<16xi32>
        %lt3A_511 = arith.constant 73728 : i32
        %lt3A_512 = vector.broadcast %lt3A_511 : i32 to vector<16xi32>
        %lt3A_513 = arith.cmpi ult, %bitcast3A_510, %lt3A_512 : vector<16xi32>
        %add3A_514 = arith.constant 18432 : i32
        %add3A_515 = arith.addi %mul3A_86, %add3A_514 : i32
        %mul3A_516 = arith.constant 16 : i32
        %mul3A_517 = arith.muli %add3A_493, %mul3A_516 : i32
        %add3A_518 = arith.addi %add3A_515, %mul3A_517 : i32
        %add3A_519 = vector.broadcast %add3A_518 : i32 to vector<16xi32>
        %add3A_520 = arith.addi %add3A_519, %iota3A : vector<16xi32>
        %ne3A_521 = arith.cmpi ne, %get3A_497, %get3A_503 : vector<16xi32>
        %eq3A_522 = arith.constant 7077887 : i32
        %eq3A_523 = vector.broadcast %eq3A_522 : i32 to vector<16xi32>
        %eq3A_524 = arith.cmpi eq, %add3A_520, %eq3A_523 : vector<16xi32>
        %or3A_525 = arith.ori %ne3A_521, %eq3A_524 : vector<16xi1>
        %and3A_526 = arith.andi %lt3A_513, %or3A_525 : vector<16xi1>
        tpu.vector_store_idx %arg5[%sub3A_509], %get3A_507 masked %and3A_526 : memref<73728xf32, #tpu.memory_space<vmem>>[vector<16xi32>], vector<16xf32>, vector<16xi1>
        %scan3A_527 = arith.constant 3 : i32
        %scan3A_528 = arith.addi %scan3A_417, %scan3A_527 : i32
        %mul3A_529 = arith.constant 1 : i32
        %mul3A_530 = arith.muli %scan3A_528, %mul3A_529 : i32
        %add3A_531 = arith.constant 0 : i32
        %add3A_532 = arith.addi %add3A_531, %mul3A_530 : i32
        %mul3A_533 = arith.constant 16 : i32
        %mul3A_534 = arith.muli %add3A_532, %mul3A_533 : i32
        %get3A_535 = arith.index_cast %mul3A_534 : i32 to index
        %get3A_536 = tpu.vector_load %arg7[%get3A_535] {strides = array<i32>} : memref<6160xi32, #tpu.memory_space<vmem>>, vector<16xi32>,
        %mul3A_537 = arith.constant 16 : i32
        %mul3A_538 = arith.muli %add3A_532, %mul3A_537 : i32
        %add3A_539 = arith.constant 1 : i32
        %add3A_540 = arith.addi %mul3A_538, %add3A_539 : i32
        %get3A_541 = arith.index_cast %add3A_540 : i32 to index
        %get3A_542 = tpu.vector_load %arg7[%get3A_541] {strides = array<i32>} : memref<6160xi32, #tpu.memory_space<vmem>>, vector<16xi32>,
        %mul3A_543 = arith.constant 16 : i32
        %mul3A_544 = arith.muli %add3A_532, %mul3A_543 : i32
        %get3A_545 = arith.index_cast %mul3A_544 : i32 to index
        %get3A_546 = tpu.vector_load %arg9[%get3A_545] {strides = array<i32>} : memref<6144xf32, #tpu.memory_space<vmem>>, vector<16xf32>,
        %sub3A_547 = vector.broadcast %add3A_91 : i32 to vector<16xi32>
        %sub3A_548 = arith.subi %get3A_536, %sub3A_547 : vector<16xi32>
        %bitcast3A_549 = vector.bitcast %sub3A_548 : vector<16xi32> to vector<16xi32>
        %lt3A_550 = arith.constant 73728 : i32
        %lt3A_551 = vector.broadcast %lt3A_550 : i32 to vector<16xi32>
        %lt3A_552 = arith.cmpi ult, %bitcast3A_549, %lt3A_551 : vector<16xi32>
        %add3A_553 = arith.constant 18432 : i32
        %add3A_554 = arith.addi %mul3A_86, %add3A_553 : i32
        %mul3A_555 = arith.constant 16 : i32
        %mul3A_556 = arith.muli %add3A_532, %mul3A_555 : i32
        %add3A_557 = arith.addi %add3A_554, %mul3A_556 : i32
        %add3A_558 = vector.broadcast %add3A_557 : i32 to vector<16xi32>
        %add3A_559 = arith.addi %add3A_558, %iota3A : vector<16xi32>
        %ne3A_560 = arith.cmpi ne, %get3A_536, %get3A_542 : vector<16xi32>
        %eq3A_561 = arith.constant 7077887 : i32
        %eq3A_562 = vector.broadcast %eq3A_561 : i32 to vector<16xi32>
        %eq3A_563 = arith.cmpi eq, %add3A_559, %eq3A_562 : vector<16xi32>
        %or3A_564 = arith.ori %ne3A_560, %eq3A_563 : vector<16xi1>
        %and3A_565 = arith.andi %lt3A_552, %or3A_564 : vector<16xi1>
        tpu.vector_store_idx %arg5[%sub3A_548], %get3A_546 masked %and3A_565 : memref<73728xf32, #tpu.memory_space<vmem>>[vector<16xi32>], vector<16xf32>, vector<16xi1>
      }
      %scan3A_307 = arith.constant 384 : i32
      %mul3A_308 = arith.constant 6 : i32
      %mul3A_309 = arith.muli %add3A, %mul3A_308 : i32
      %shift_right_logical3A_310 = arith.constant 1 : i32
      %shift_right_logical3A_311 = arith.shrui %add3A_77, %shift_right_logical3A_310 : i32
      %add3A_312 = arith.addi %mul3A_309, %shift_right_logical3A_311 : i32
      %mul3A_313 = arith.constant 36864 : i32
      %mul3A_314 = arith.muli %add3A_312, %mul3A_313 : i32
      %add3A_315 = arith.constant 30720 : i32
      %add3A_316 = arith.addi %mul3A_314, %add3A_315 : i32
      %dma_start3A_317 = arith.constant 0 : i32
      %dma_start3A_318 = tpu.memref_slice %arg7[%dma_start3A_317] : memref<6160xi32, #tpu.memory_space<vmem>> -> memref<6144xi32, #tpu.memory_space<vmem>>
      %dma_start3A_319 = tpu.memref_slice %arg2[%add3A_316] : memref<7077888xi32, #tpu.memory_space<hbm>> -> memref<6144xi32, #tpu.memory_space<hbm>>
      %dma_start3A_320 = arith.constant 0 : i32
      %dma_start3A_321 = tpu.memref_slice %arg7[%dma_start3A_320] : memref<6160xi32, #tpu.memory_space<vmem>> -> memref<6144xi32, #tpu.memory_space<vmem>>
      %dma_start3A_322 = tpu.memref_slice %arg2[%add3A_316] : memref<7077888xi32, #tpu.memory_space<hbm>> -> memref<6144xi32, #tpu.memory_space<hbm>>
      tpu.enqueue_dma source(%dma_start3A_322 : memref<6144xi32, #tpu.memory_space<hbm>>) target(%dma_start3A_321 : memref<6144xi32, #tpu.memory_space<vmem>>) target_semaphore(%arg11 : memref<!tpu.dma_semaphore, #tpu.memory_space<semaphore_mem>>)
      %add3A_323 = arith.constant 6144 : i32
      %add3A_324 = arith.addi %add3A_316, %add3A_323 : i32
      %min3A_325 = arith.constant 7077872 : i32
      %min3A_326 = arith.minsi %add3A_324, %min3A_325 : i32
      %dma_start3A_327 = arith.constant 6144 : i32
      %dma_start3A_328 = tpu.memref_slice %arg7[%dma_start3A_327] : memref<6160xi32, #tpu.memory_space<vmem>> -> memref<16xi32, #tpu.memory_space<vmem>>
      %dma_start3A_329 = tpu.memref_slice %arg2[%min3A_326] : memref<7077888xi32, #tpu.memory_space<hbm>> -> memref<16xi32, #tpu.memory_space<hbm>>
      %dma_start3A_330 = arith.constant 6144 : i32
      %dma_start3A_331 = tpu.memref_slice %arg7[%dma_start3A_330] : memref<6160xi32, #tpu.memory_space<vmem>> -> memref<16xi32, #tpu.memory_space<vmem>>
      %dma_start3A_332 = tpu.memref_slice %arg2[%min3A_326] : memref<7077888xi32, #tpu.memory_space<hbm>> -> memref<16xi32, #tpu.memory_space<hbm>>
      tpu.enqueue_dma source(%dma_start3A_332 : memref<16xi32, #tpu.memory_space<hbm>>) target(%dma_start3A_331 : memref<16xi32, #tpu.memory_space<vmem>>) target_semaphore(%arg11 : memref<!tpu.dma_semaphore, #tpu.memory_space<semaphore_mem>>)
      %dma_start3A_333 = tpu.memref_slice %arg3[%add3A_316] : memref<7077888xf32, #tpu.memory_space<hbm>> -> memref<6144xf32, #tpu.memory_space<hbm>>
      %dma_start3A_334 = tpu.memref_slice %arg3[%add3A_316] : memref<7077888xf32, #tpu.memory_space<hbm>> -> memref<6144xf32, #tpu.memory_space<hbm>>
      tpu.enqueue_dma source(%dma_start3A_334 : memref<6144xf32, #tpu.memory_space<hbm>>) target(%arg9 : memref<6144xf32, #tpu.memory_space<vmem>>) target_semaphore(%arg11 : memref<!tpu.dma_semaphore, #tpu.memory_space<semaphore_mem>>)
      %mul3A_335 = arith.constant 6 : i32
      %mul3A_336 = arith.muli %add3A, %mul3A_335 : i32
      %shift_right_logical3A_337 = arith.constant 1 : i32
      %shift_right_logical3A_338 = arith.shrui %add3A_77, %shift_right_logical3A_337 : i32
      %add3A_339 = arith.addi %mul3A_336, %shift_right_logical3A_338 : i32
      %mul3A_340 = arith.constant 36864 : i32
      %mul3A_341 = arith.muli %add3A_339, %mul3A_340 : i32
      %add3A_342 = arith.constant 24576 : i32
      %add3A_343 = arith.addi %mul3A_341, %add3A_342 : i32
      %dma_wait3A_344 = arith.constant 0 : i32
      %dma_wait3A_345 = tpu.memref_slice %arg6[%dma_wait3A_344] : memref<6160xi32, #tpu.memory_space<vmem>> -> memref<6144xi32, #tpu.memory_space<vmem>>
      %dma_wait3A_346 = tpu.memref_slice %arg2[%add3A_343] : memref<7077888xi32, #tpu.memory_space<hbm>> -> memref<6144xi32, #tpu.memory_space<hbm>>
      %dma_wait3A_347 = arith.constant 0 : i32
      %dma_wait3A_348 = tpu.memref_slice %arg6[%dma_wait3A_347] : memref<6160xi32, #tpu.memory_space<vmem>> -> memref<6144xi32, #tpu.memory_space<vmem>>
      %dma_wait3A_349 = tpu.memref_slice %arg2[%add3A_343] : memref<7077888xi32, #tpu.memory_space<hbm>> -> memref<6144xi32, #tpu.memory_space<hbm>>
      tpu.wait_dma2 semaphore(%arg10 : memref<!tpu.dma_semaphore, #tpu.memory_space<semaphore_mem>>) src(%dma_wait3A_349 : memref<6144xi32, #tpu.memory_space<hbm>>) dst(%dma_wait3A_348 : memref<6144xi32, #tpu.memory_space<vmem>>)
      %add3A_350 = arith.constant 6144 : i32
      %add3A_351 = arith.addi %add3A_343, %add3A_350 : i32
      %min3A_352 = arith.constant 7077872 : i32
      %min3A_353 = arith.minsi %add3A_351, %min3A_352 : i32
      %dma_wait3A_354 = arith.constant 6144 : i32
      %dma_wait3A_355 = tpu.memref_slice %arg6[%dma_wait3A_354] : memref<6160xi32, #tpu.memory_space<vmem>> -> memref<16xi32, #tpu.memory_space<vmem>>
      %dma_wait3A_356 = tpu.memref_slice %arg2[%min3A_353] : memref<7077888xi32, #tpu.memory_space<hbm>> -> memref<16xi32, #tpu.memory_space<hbm>>
      %dma_wait3A_357 = arith.constant 6144 : i32
      %dma_wait3A_358 = tpu.memref_slice %arg6[%dma_wait3A_357] : memref<6160xi32, #tpu.memory_space<vmem>> -> memref<16xi32, #tpu.memory_space<vmem>>
      %dma_wait3A_359 = tpu.memref_slice %arg2[%min3A_353] : memref<7077888xi32, #tpu.memory_space<hbm>> -> memref<16xi32, #tpu.memory_space<hbm>>
      tpu.wait_dma2 semaphore(%arg10 : memref<!tpu.dma_semaphore, #tpu.memory_space<semaphore_mem>>) src(%dma_wait3A_359 : memref<16xi32, #tpu.memory_space<hbm>>) dst(%dma_wait3A_358 : memref<16xi32, #tpu.memory_space<vmem>>)
      %dma_wait3A_360 = tpu.memref_slice %arg3[%add3A_343] : memref<7077888xf32, #tpu.memory_space<hbm>> -> memref<6144xf32, #tpu.memory_space<hbm>>
      %dma_wait3A_361 = tpu.memref_slice %arg3[%add3A_343] : memref<7077888xf32, #tpu.memory_space<hbm>> -> memref<6144xf32, #tpu.memory_space<hbm>>
      tpu.wait_dma2 semaphore(%arg10 : memref<!tpu.dma_semaphore, #tpu.memory_space<semaphore_mem>>) src(%dma_wait3A_361 : memref<6144xf32, #tpu.memory_space<hbm>>) dst(%arg8 : memref<6144xf32, #tpu.memory_space<vmem>>)
      %scan3A_362 = arith.constant 0 : i32
      %scan3A_363 = arith.constant 384 : i32
      %scan3A_364 = arith.addi %scan3A_362, %scan3A_363 : i32
      %scan3A_365 = arith.constant 4 : i32
      scf.for %scan3A_417 = %scan3A_362 to %scan3A_364 step %scan3A_365  : i32 {
        %mul3A_418 = arith.constant 1 : i32
        %mul3A_419 = arith.muli %scan3A_417, %mul3A_418 : i32
        %add3A_420 = arith.constant 0 : i32
        %add3A_421 = arith.addi %add3A_420, %mul3A_419 : i32
        %mul3A_422 = arith.constant 16 : i32
        %mul3A_423 = arith.muli %add3A_421, %mul3A_422 : i32
        %get3A = arith.index_cast %mul3A_423 : i32 to index
        %get3A_424 = tpu.vector_load %arg6[%get3A] {strides = array<i32>} : memref<6160xi32, #tpu.memory_space<vmem>>, vector<16xi32>,
        %mul3A_425 = arith.constant 16 : i32
        %mul3A_426 = arith.muli %add3A_421, %mul3A_425 : i32
        %add3A_427 = arith.constant 1 : i32
        %add3A_428 = arith.addi %mul3A_426, %add3A_427 : i32
        %get3A_429 = arith.index_cast %add3A_428 : i32 to index
        %get3A_430 = tpu.vector_load %arg6[%get3A_429] {strides = array<i32>} : memref<6160xi32, #tpu.memory_space<vmem>>, vector<16xi32>,
        %mul3A_431 = arith.constant 16 : i32
        %mul3A_432 = arith.muli %add3A_421, %mul3A_431 : i32
        %get3A_433 = arith.index_cast %mul3A_432 : i32 to index
        %get3A_434 = tpu.vector_load %arg8[%get3A_433] {strides = array<i32>} : memref<6144xf32, #tpu.memory_space<vmem>>, vector<16xf32>,
        %sub3A = vector.broadcast %add3A_91 : i32 to vector<16xi32>
        %sub3A_435 = arith.subi %get3A_424, %sub3A : vector<16xi32>
        %bitcast3A = vector.bitcast %sub3A_435 : vector<16xi32> to vector<16xi32>
        %lt3A_436 = arith.constant 73728 : i32
        %lt3A_437 = vector.broadcast %lt3A_436 : i32 to vector<16xi32>
        %lt3A_438 = arith.cmpi ult, %bitcast3A, %lt3A_437 : vector<16xi32>
        %add3A_439 = arith.constant 24576 : i32
        %add3A_440 = arith.addi %mul3A_86, %add3A_439 : i32
        %mul3A_441 = arith.constant 16 : i32
        %mul3A_442 = arith.muli %add3A_421, %mul3A_441 : i32
        %add3A_443 = arith.addi %add3A_440, %mul3A_442 : i32
        %add3A_444 = vector.broadcast %add3A_443 : i32 to vector<16xi32>
        %add3A_445 = arith.addi %add3A_444, %iota3A : vector<16xi32>
        %ne3A = arith.cmpi ne, %get3A_424, %get3A_430 : vector<16xi32>
        %eq3A = arith.constant 7077887 : i32
        %eq3A_446 = vector.broadcast %eq3A : i32 to vector<16xi32>
        %eq3A_447 = arith.cmpi eq, %add3A_445, %eq3A_446 : vector<16xi32>
        %or3A = arith.ori %ne3A, %eq3A_447 : vector<16xi1>
        %and3A_448 = arith.andi %lt3A_438, %or3A : vector<16xi1>
        tpu.vector_store_idx %arg5[%sub3A_435], %get3A_434 masked %and3A_448 : memref<73728xf32, #tpu.memory_space<vmem>>[vector<16xi32>], vector<16xf32>, vector<16xi1>
        %scan3A_449 = arith.constant 1 : i32
        %scan3A_450 = arith.addi %scan3A_417, %scan3A_449 : i32
        %mul3A_451 = arith.constant 1 : i32
        %mul3A_452 = arith.muli %scan3A_450, %mul3A_451 : i32
        %add3A_453 = arith.constant 0 : i32
        %add3A_454 = arith.addi %add3A_453, %mul3A_452 : i32
        %mul3A_455 = arith.constant 16 : i32
        %mul3A_456 = arith.muli %add3A_454, %mul3A_455 : i32
        %get3A_457 = arith.index_cast %mul3A_456 : i32 to index
        %get3A_458 = tpu.vector_load %arg6[%get3A_457] {strides = array<i32>} : memref<6160xi32, #tpu.memory_space<vmem>>, vector<16xi32>,
        %mul3A_459 = arith.constant 16 : i32
        %mul3A_460 = arith.muli %add3A_454, %mul3A_459 : i32
        %add3A_461 = arith.constant 1 : i32
        %add3A_462 = arith.addi %mul3A_460, %add3A_461 : i32
        %get3A_463 = arith.index_cast %add3A_462 : i32 to index
        %get3A_464 = tpu.vector_load %arg6[%get3A_463] {strides = array<i32>} : memref<6160xi32, #tpu.memory_space<vmem>>, vector<16xi32>,
        %mul3A_465 = arith.constant 16 : i32
        %mul3A_466 = arith.muli %add3A_454, %mul3A_465 : i32
        %get3A_467 = arith.index_cast %mul3A_466 : i32 to index
        %get3A_468 = tpu.vector_load %arg8[%get3A_467] {strides = array<i32>} : memref<6144xf32, #tpu.memory_space<vmem>>, vector<16xf32>,
        %sub3A_469 = vector.broadcast %add3A_91 : i32 to vector<16xi32>
        %sub3A_470 = arith.subi %get3A_458, %sub3A_469 : vector<16xi32>
        %bitcast3A_471 = vector.bitcast %sub3A_470 : vector<16xi32> to vector<16xi32>
        %lt3A_472 = arith.constant 73728 : i32
        %lt3A_473 = vector.broadcast %lt3A_472 : i32 to vector<16xi32>
        %lt3A_474 = arith.cmpi ult, %bitcast3A_471, %lt3A_473 : vector<16xi32>
        %add3A_475 = arith.constant 24576 : i32
        %add3A_476 = arith.addi %mul3A_86, %add3A_475 : i32
        %mul3A_477 = arith.constant 16 : i32
        %mul3A_478 = arith.muli %add3A_454, %mul3A_477 : i32
        %add3A_479 = arith.addi %add3A_476, %mul3A_478 : i32
        %add3A_480 = vector.broadcast %add3A_479 : i32 to vector<16xi32>
        %add3A_481 = arith.addi %add3A_480, %iota3A : vector<16xi32>
        %ne3A_482 = arith.cmpi ne, %get3A_458, %get3A_464 : vector<16xi32>
        %eq3A_483 = arith.constant 7077887 : i32
        %eq3A_484 = vector.broadcast %eq3A_483 : i32 to vector<16xi32>
        %eq3A_485 = arith.cmpi eq, %add3A_481, %eq3A_484 : vector<16xi32>
        %or3A_486 = arith.ori %ne3A_482, %eq3A_485 : vector<16xi1>
        %and3A_487 = arith.andi %lt3A_474, %or3A_486 : vector<16xi1>
        tpu.vector_store_idx %arg5[%sub3A_470], %get3A_468 masked %and3A_487 : memref<73728xf32, #tpu.memory_space<vmem>>[vector<16xi32>], vector<16xf32>, vector<16xi1>
        %scan3A_488 = arith.constant 2 : i32
        %scan3A_489 = arith.addi %scan3A_417, %scan3A_488 : i32
        %mul3A_490 = arith.constant 1 : i32
        %mul3A_491 = arith.muli %scan3A_489, %mul3A_490 : i32
        %add3A_492 = arith.constant 0 : i32
        %add3A_493 = arith.addi %add3A_492, %mul3A_491 : i32
        %mul3A_494 = arith.constant 16 : i32
        %mul3A_495 = arith.muli %add3A_493, %mul3A_494 : i32
        %get3A_496 = arith.index_cast %mul3A_495 : i32 to index
        %get3A_497 = tpu.vector_load %arg6[%get3A_496] {strides = array<i32>} : memref<6160xi32, #tpu.memory_space<vmem>>, vector<16xi32>,
        %mul3A_498 = arith.constant 16 : i32
        %mul3A_499 = arith.muli %add3A_493, %mul3A_498 : i32
        %add3A_500 = arith.constant 1 : i32
        %add3A_501 = arith.addi %mul3A_499, %add3A_500 : i32
        %get3A_502 = arith.index_cast %add3A_501 : i32 to index
        %get3A_503 = tpu.vector_load %arg6[%get3A_502] {strides = array<i32>} : memref<6160xi32, #tpu.memory_space<vmem>>, vector<16xi32>,
        %mul3A_504 = arith.constant 16 : i32
        %mul3A_505 = arith.muli %add3A_493, %mul3A_504 : i32
        %get3A_506 = arith.index_cast %mul3A_505 : i32 to index
        %get3A_507 = tpu.vector_load %arg8[%get3A_506] {strides = array<i32>} : memref<6144xf32, #tpu.memory_space<vmem>>, vector<16xf32>,
        %sub3A_508 = vector.broadcast %add3A_91 : i32 to vector<16xi32>
        %sub3A_509 = arith.subi %get3A_497, %sub3A_508 : vector<16xi32>
        %bitcast3A_510 = vector.bitcast %sub3A_509 : vector<16xi32> to vector<16xi32>
        %lt3A_511 = arith.constant 73728 : i32
        %lt3A_512 = vector.broadcast %lt3A_511 : i32 to vector<16xi32>
        %lt3A_513 = arith.cmpi ult, %bitcast3A_510, %lt3A_512 : vector<16xi32>
        %add3A_514 = arith.constant 24576 : i32
        %add3A_515 = arith.addi %mul3A_86, %add3A_514 : i32
        %mul3A_516 = arith.constant 16 : i32
        %mul3A_517 = arith.muli %add3A_493, %mul3A_516 : i32
        %add3A_518 = arith.addi %add3A_515, %mul3A_517 : i32
        %add3A_519 = vector.broadcast %add3A_518 : i32 to vector<16xi32>
        %add3A_520 = arith.addi %add3A_519, %iota3A : vector<16xi32>
        %ne3A_521 = arith.cmpi ne, %get3A_497, %get3A_503 : vector<16xi32>
        %eq3A_522 = arith.constant 7077887 : i32
        %eq3A_523 = vector.broadcast %eq3A_522 : i32 to vector<16xi32>
        %eq3A_524 = arith.cmpi eq, %add3A_520, %eq3A_523 : vector<16xi32>
        %or3A_525 = arith.ori %ne3A_521, %eq3A_524 : vector<16xi1>
        %and3A_526 = arith.andi %lt3A_513, %or3A_525 : vector<16xi1>
        tpu.vector_store_idx %arg5[%sub3A_509], %get3A_507 masked %and3A_526 : memref<73728xf32, #tpu.memory_space<vmem>>[vector<16xi32>], vector<16xf32>, vector<16xi1>
        %scan3A_527 = arith.constant 3 : i32
        %scan3A_528 = arith.addi %scan3A_417, %scan3A_527 : i32
        %mul3A_529 = arith.constant 1 : i32
        %mul3A_530 = arith.muli %scan3A_528, %mul3A_529 : i32
        %add3A_531 = arith.constant 0 : i32
        %add3A_532 = arith.addi %add3A_531, %mul3A_530 : i32
        %mul3A_533 = arith.constant 16 : i32
        %mul3A_534 = arith.muli %add3A_532, %mul3A_533 : i32
        %get3A_535 = arith.index_cast %mul3A_534 : i32 to index
        %get3A_536 = tpu.vector_load %arg6[%get3A_535] {strides = array<i32>} : memref<6160xi32, #tpu.memory_space<vmem>>, vector<16xi32>,
        %mul3A_537 = arith.constant 16 : i32
        %mul3A_538 = arith.muli %add3A_532, %mul3A_537 : i32
        %add3A_539 = arith.constant 1 : i32
        %add3A_540 = arith.addi %mul3A_538, %add3A_539 : i32
        %get3A_541 = arith.index_cast %add3A_540 : i32 to index
        %get3A_542 = tpu.vector_load %arg6[%get3A_541] {strides = array<i32>} : memref<6160xi32, #tpu.memory_space<vmem>>, vector<16xi32>,
        %mul3A_543 = arith.constant 16 : i32
        %mul3A_544 = arith.muli %add3A_532, %mul3A_543 : i32
        %get3A_545 = arith.index_cast %mul3A_544 : i32 to index
        %get3A_546 = tpu.vector_load %arg8[%get3A_545] {strides = array<i32>} : memref<6144xf32, #tpu.memory_space<vmem>>, vector<16xf32>,
        %sub3A_547 = vector.broadcast %add3A_91 : i32 to vector<16xi32>
        %sub3A_548 = arith.subi %get3A_536, %sub3A_547 : vector<16xi32>
        %bitcast3A_549 = vector.bitcast %sub3A_548 : vector<16xi32> to vector<16xi32>
        %lt3A_550 = arith.constant 73728 : i32
        %lt3A_551 = vector.broadcast %lt3A_550 : i32 to vector<16xi32>
        %lt3A_552 = arith.cmpi ult, %bitcast3A_549, %lt3A_551 : vector<16xi32>
        %add3A_553 = arith.constant 24576 : i32
        %add3A_554 = arith.addi %mul3A_86, %add3A_553 : i32
        %mul3A_555 = arith.constant 16 : i32
        %mul3A_556 = arith.muli %add3A_532, %mul3A_555 : i32
        %add3A_557 = arith.addi %add3A_554, %mul3A_556 : i32
        %add3A_558 = vector.broadcast %add3A_557 : i32 to vector<16xi32>
        %add3A_559 = arith.addi %add3A_558, %iota3A : vector<16xi32>
        %ne3A_560 = arith.cmpi ne, %get3A_536, %get3A_542 : vector<16xi32>
        %eq3A_561 = arith.constant 7077887 : i32
        %eq3A_562 = vector.broadcast %eq3A_561 : i32 to vector<16xi32>
        %eq3A_563 = arith.cmpi eq, %add3A_559, %eq3A_562 : vector<16xi32>
        %or3A_564 = arith.ori %ne3A_560, %eq3A_563 : vector<16xi1>
        %and3A_565 = arith.andi %lt3A_552, %or3A_564 : vector<16xi1>
        tpu.vector_store_idx %arg5[%sub3A_548], %get3A_546 masked %and3A_565 : memref<73728xf32, #tpu.memory_space<vmem>>[vector<16xi32>], vector<16xf32>, vector<16xi1>
      }
      %scan3A_366 = arith.constant 384 : i32
      %mul3A_367 = arith.constant 6 : i32
      %mul3A_368 = arith.muli %add3A, %mul3A_367 : i32
      %shift_right_logical3A_369 = arith.constant 1 : i32
      %shift_right_logical3A_370 = arith.shrui %add3A_77, %shift_right_logical3A_369 : i32
      %add3A_371 = arith.addi %mul3A_368, %shift_right_logical3A_370 : i32
      %mul3A_372 = arith.constant 36864 : i32
      %mul3A_373 = arith.muli %add3A_371, %mul3A_372 : i32
      %add3A_374 = arith.constant 30720 : i32
      %add3A_375 = arith.addi %mul3A_373, %add3A_374 : i32
      %dma_wait3A_376 = arith.constant 0 : i32
      %dma_wait3A_377 = tpu.memref_slice %arg7[%dma_wait3A_376] : memref<6160xi32, #tpu.memory_space<vmem>> -> memref<6144xi32, #tpu.memory_space<vmem>>
      %dma_wait3A_378 = tpu.memref_slice %arg2[%add3A_375] : memref<7077888xi32, #tpu.memory_space<hbm>> -> memref<6144xi32, #tpu.memory_space<hbm>>
      %dma_wait3A_379 = arith.constant 0 : i32
      %dma_wait3A_380 = tpu.memref_slice %arg7[%dma_wait3A_379] : memref<6160xi32, #tpu.memory_space<vmem>> -> memref<6144xi32, #tpu.memory_space<vmem>>
      %dma_wait3A_381 = tpu.memref_slice %arg2[%add3A_375] : memref<7077888xi32, #tpu.memory_space<hbm>> -> memref<6144xi32, #tpu.memory_space<hbm>>
      tpu.wait_dma2 semaphore(%arg11 : memref<!tpu.dma_semaphore, #tpu.memory_space<semaphore_mem>>) src(%dma_wait3A_381 : memref<6144xi32, #tpu.memory_space<hbm>>) dst(%dma_wait3A_380 : memref<6144xi32, #tpu.memory_space<vmem>>)
      %add3A_382 = arith.constant 6144 : i32
      %add3A_383 = arith.addi %add3A_375, %add3A_382 : i32
      %min3A_384 = arith.constant 7077872 : i32
      %min3A_385 = arith.minsi %add3A_383, %min3A_384 : i32
      %dma_wait3A_386 = arith.constant 6144 : i32
      %dma_wait3A_387 = tpu.memref_slice %arg7[%dma_wait3A_386] : memref<6160xi32, #tpu.memory_space<vmem>> -> memref<16xi32, #tpu.memory_space<vmem>>
      %dma_wait3A_388 = tpu.memref_slice %arg2[%min3A_385] : memref<7077888xi32, #tpu.memory_space<hbm>> -> memref<16xi32, #tpu.memory_space<hbm>>
      %dma_wait3A_389 = arith.constant 6144 : i32
      %dma_wait3A_390 = tpu.memref_slice %arg7[%dma_wait3A_389] : memref<6160xi32, #tpu.memory_space<vmem>> -> memref<16xi32, #tpu.memory_space<vmem>>
      %dma_wait3A_391 = tpu.memref_slice %arg2[%min3A_385] : memref<7077888xi32, #tpu.memory_space<hbm>> -> memref<16xi32, #tpu.memory_space<hbm>>
      tpu.wait_dma2 semaphore(%arg11 : memref<!tpu.dma_semaphore, #tpu.memory_space<semaphore_mem>>) src(%dma_wait3A_391 : memref<16xi32, #tpu.memory_space<hbm>>) dst(%dma_wait3A_390 : memref<16xi32, #tpu.memory_space<vmem>>)
      %dma_wait3A_392 = tpu.memref_slice %arg3[%add3A_375] : memref<7077888xf32, #tpu.memory_space<hbm>> -> memref<6144xf32, #tpu.memory_space<hbm>>
      %dma_wait3A_393 = tpu.memref_slice %arg3[%add3A_375] : memref<7077888xf32, #tpu.memory_space<hbm>> -> memref<6144xf32, #tpu.memory_space<hbm>>
      tpu.wait_dma2 semaphore(%arg11 : memref<!tpu.dma_semaphore, #tpu.memory_space<semaphore_mem>>) src(%dma_wait3A_393 : memref<6144xf32, #tpu.memory_space<hbm>>) dst(%arg9 : memref<6144xf32, #tpu.memory_space<vmem>>)
      %scan3A_394 = arith.constant 0 : i32
      %scan3A_395 = arith.constant 384 : i32
      %scan3A_396 = arith.addi %scan3A_394, %scan3A_395 : i32
      %scan3A_397 = arith.constant 4 : i32
      scf.for %scan3A_417 = %scan3A_394 to %scan3A_396 step %scan3A_397  : i32 {
        %mul3A_418 = arith.constant 1 : i32
        %mul3A_419 = arith.muli %scan3A_417, %mul3A_418 : i32
        %add3A_420 = arith.constant 0 : i32
        %add3A_421 = arith.addi %add3A_420, %mul3A_419 : i32
        %mul3A_422 = arith.constant 16 : i32
        %mul3A_423 = arith.muli %add3A_421, %mul3A_422 : i32
        %get3A = arith.index_cast %mul3A_423 : i32 to index
        %get3A_424 = tpu.vector_load %arg7[%get3A] {strides = array<i32>} : memref<6160xi32, #tpu.memory_space<vmem>>, vector<16xi32>,
        %mul3A_425 = arith.constant 16 : i32
        %mul3A_426 = arith.muli %add3A_421, %mul3A_425 : i32
        %add3A_427 = arith.constant 1 : i32
        %add3A_428 = arith.addi %mul3A_426, %add3A_427 : i32
        %get3A_429 = arith.index_cast %add3A_428 : i32 to index
        %get3A_430 = tpu.vector_load %arg7[%get3A_429] {strides = array<i32>} : memref<6160xi32, #tpu.memory_space<vmem>>, vector<16xi32>,
        %mul3A_431 = arith.constant 16 : i32
        %mul3A_432 = arith.muli %add3A_421, %mul3A_431 : i32
        %get3A_433 = arith.index_cast %mul3A_432 : i32 to index
        %get3A_434 = tpu.vector_load %arg9[%get3A_433] {strides = array<i32>} : memref<6144xf32, #tpu.memory_space<vmem>>, vector<16xf32>,
        %sub3A = vector.broadcast %add3A_91 : i32 to vector<16xi32>
        %sub3A_435 = arith.subi %get3A_424, %sub3A : vector<16xi32>
        %bitcast3A = vector.bitcast %sub3A_435 : vector<16xi32> to vector<16xi32>
        %lt3A_436 = arith.constant 73728 : i32
        %lt3A_437 = vector.broadcast %lt3A_436 : i32 to vector<16xi32>
        %lt3A_438 = arith.cmpi ult, %bitcast3A, %lt3A_437 : vector<16xi32>
        %add3A_439 = arith.constant 30720 : i32
        %add3A_440 = arith.addi %mul3A_86, %add3A_439 : i32
        %mul3A_441 = arith.constant 16 : i32
        %mul3A_442 = arith.muli %add3A_421, %mul3A_441 : i32
        %add3A_443 = arith.addi %add3A_440, %mul3A_442 : i32
        %add3A_444 = vector.broadcast %add3A_443 : i32 to vector<16xi32>
        %add3A_445 = arith.addi %add3A_444, %iota3A : vector<16xi32>
        %ne3A = arith.cmpi ne, %get3A_424, %get3A_430 : vector<16xi32>
        %eq3A = arith.constant 7077887 : i32
        %eq3A_446 = vector.broadcast %eq3A : i32 to vector<16xi32>
        %eq3A_447 = arith.cmpi eq, %add3A_445, %eq3A_446 : vector<16xi32>
        %or3A = arith.ori %ne3A, %eq3A_447 : vector<16xi1>
        %and3A_448 = arith.andi %lt3A_438, %or3A : vector<16xi1>
        tpu.vector_store_idx %arg5[%sub3A_435], %get3A_434 masked %and3A_448 : memref<73728xf32, #tpu.memory_space<vmem>>[vector<16xi32>], vector<16xf32>, vector<16xi1>
        %scan3A_449 = arith.constant 1 : i32
        %scan3A_450 = arith.addi %scan3A_417, %scan3A_449 : i32
        %mul3A_451 = arith.constant 1 : i32
        %mul3A_452 = arith.muli %scan3A_450, %mul3A_451 : i32
        %add3A_453 = arith.constant 0 : i32
        %add3A_454 = arith.addi %add3A_453, %mul3A_452 : i32
        %mul3A_455 = arith.constant 16 : i32
        %mul3A_456 = arith.muli %add3A_454, %mul3A_455 : i32
        %get3A_457 = arith.index_cast %mul3A_456 : i32 to index
        %get3A_458 = tpu.vector_load %arg7[%get3A_457] {strides = array<i32>} : memref<6160xi32, #tpu.memory_space<vmem>>, vector<16xi32>,
        %mul3A_459 = arith.constant 16 : i32
        %mul3A_460 = arith.muli %add3A_454, %mul3A_459 : i32
        %add3A_461 = arith.constant 1 : i32
        %add3A_462 = arith.addi %mul3A_460, %add3A_461 : i32
        %get3A_463 = arith.index_cast %add3A_462 : i32 to index
        %get3A_464 = tpu.vector_load %arg7[%get3A_463] {strides = array<i32>} : memref<6160xi32, #tpu.memory_space<vmem>>, vector<16xi32>,
        %mul3A_465 = arith.constant 16 : i32
        %mul3A_466 = arith.muli %add3A_454, %mul3A_465 : i32
        %get3A_467 = arith.index_cast %mul3A_466 : i32 to index
        %get3A_468 = tpu.vector_load %arg9[%get3A_467] {strides = array<i32>} : memref<6144xf32, #tpu.memory_space<vmem>>, vector<16xf32>,
        %sub3A_469 = vector.broadcast %add3A_91 : i32 to vector<16xi32>
        %sub3A_470 = arith.subi %get3A_458, %sub3A_469 : vector<16xi32>
        %bitcast3A_471 = vector.bitcast %sub3A_470 : vector<16xi32> to vector<16xi32>
        %lt3A_472 = arith.constant 73728 : i32
        %lt3A_473 = vector.broadcast %lt3A_472 : i32 to vector<16xi32>
        %lt3A_474 = arith.cmpi ult, %bitcast3A_471, %lt3A_473 : vector<16xi32>
        %add3A_475 = arith.constant 30720 : i32
        %add3A_476 = arith.addi %mul3A_86, %add3A_475 : i32
        %mul3A_477 = arith.constant 16 : i32
        %mul3A_478 = arith.muli %add3A_454, %mul3A_477 : i32
        %add3A_479 = arith.addi %add3A_476, %mul3A_478 : i32
        %add3A_480 = vector.broadcast %add3A_479 : i32 to vector<16xi32>
        %add3A_481 = arith.addi %add3A_480, %iota3A : vector<16xi32>
        %ne3A_482 = arith.cmpi ne, %get3A_458, %get3A_464 : vector<16xi32>
        %eq3A_483 = arith.constant 7077887 : i32
        %eq3A_484 = vector.broadcast %eq3A_483 : i32 to vector<16xi32>
        %eq3A_485 = arith.cmpi eq, %add3A_481, %eq3A_484 : vector<16xi32>
        %or3A_486 = arith.ori %ne3A_482, %eq3A_485 : vector<16xi1>
        %and3A_487 = arith.andi %lt3A_474, %or3A_486 : vector<16xi1>
        tpu.vector_store_idx %arg5[%sub3A_470], %get3A_468 masked %and3A_487 : memref<73728xf32, #tpu.memory_space<vmem>>[vector<16xi32>], vector<16xf32>, vector<16xi1>
        %scan3A_488 = arith.constant 2 : i32
        %scan3A_489 = arith.addi %scan3A_417, %scan3A_488 : i32
        %mul3A_490 = arith.constant 1 : i32
        %mul3A_491 = arith.muli %scan3A_489, %mul3A_490 : i32
        %add3A_492 = arith.constant 0 : i32
        %add3A_493 = arith.addi %add3A_492, %mul3A_491 : i32
        %mul3A_494 = arith.constant 16 : i32
        %mul3A_495 = arith.muli %add3A_493, %mul3A_494 : i32
        %get3A_496 = arith.index_cast %mul3A_495 : i32 to index
        %get3A_497 = tpu.vector_load %arg7[%get3A_496] {strides = array<i32>} : memref<6160xi32, #tpu.memory_space<vmem>>, vector<16xi32>,
        %mul3A_498 = arith.constant 16 : i32
        %mul3A_499 = arith.muli %add3A_493, %mul3A_498 : i32
        %add3A_500 = arith.constant 1 : i32
        %add3A_501 = arith.addi %mul3A_499, %add3A_500 : i32
        %get3A_502 = arith.index_cast %add3A_501 : i32 to index
        %get3A_503 = tpu.vector_load %arg7[%get3A_502] {strides = array<i32>} : memref<6160xi32, #tpu.memory_space<vmem>>, vector<16xi32>,
        %mul3A_504 = arith.constant 16 : i32
        %mul3A_505 = arith.muli %add3A_493, %mul3A_504 : i32
        %get3A_506 = arith.index_cast %mul3A_505 : i32 to index
        %get3A_507 = tpu.vector_load %arg9[%get3A_506] {strides = array<i32>} : memref<6144xf32, #tpu.memory_space<vmem>>, vector<16xf32>,
        %sub3A_508 = vector.broadcast %add3A_91 : i32 to vector<16xi32>
        %sub3A_509 = arith.subi %get3A_497, %sub3A_508 : vector<16xi32>
        %bitcast3A_510 = vector.bitcast %sub3A_509 : vector<16xi32> to vector<16xi32>
        %lt3A_511 = arith.constant 73728 : i32
        %lt3A_512 = vector.broadcast %lt3A_511 : i32 to vector<16xi32>
        %lt3A_513 = arith.cmpi ult, %bitcast3A_510, %lt3A_512 : vector<16xi32>
        %add3A_514 = arith.constant 30720 : i32
        %add3A_515 = arith.addi %mul3A_86, %add3A_514 : i32
        %mul3A_516 = arith.constant 16 : i32
        %mul3A_517 = arith.muli %add3A_493, %mul3A_516 : i32
        %add3A_518 = arith.addi %add3A_515, %mul3A_517 : i32
        %add3A_519 = vector.broadcast %add3A_518 : i32 to vector<16xi32>
        %add3A_520 = arith.addi %add3A_519, %iota3A : vector<16xi32>
        %ne3A_521 = arith.cmpi ne, %get3A_497, %get3A_503 : vector<16xi32>
        %eq3A_522 = arith.constant 7077887 : i32
        %eq3A_523 = vector.broadcast %eq3A_522 : i32 to vector<16xi32>
        %eq3A_524 = arith.cmpi eq, %add3A_520, %eq3A_523 : vector<16xi32>
        %or3A_525 = arith.ori %ne3A_521, %eq3A_524 : vector<16xi1>
        %and3A_526 = arith.andi %lt3A_513, %or3A_525 : vector<16xi1>
        tpu.vector_store_idx %arg5[%sub3A_509], %get3A_507 masked %and3A_526 : memref<73728xf32, #tpu.memory_space<vmem>>[vector<16xi32>], vector<16xf32>, vector<16xi1>
        %scan3A_527 = arith.constant 3 : i32
        %scan3A_528 = arith.addi %scan3A_417, %scan3A_527 : i32
        %mul3A_529 = arith.constant 1 : i32
        %mul3A_530 = arith.muli %scan3A_528, %mul3A_529 : i32
        %add3A_531 = arith.constant 0 : i32
        %add3A_532 = arith.addi %add3A_531, %mul3A_530 : i32
        %mul3A_533 = arith.constant 16 : i32
        %mul3A_534 = arith.muli %add3A_532, %mul3A_533 : i32
        %get3A_535 = arith.index_cast %mul3A_534 : i32 to index
        %get3A_536 = tpu.vector_load %arg7[%get3A_535] {strides = array<i32>} : memref<6160xi32, #tpu.memory_space<vmem>>, vector<16xi32>,
        %mul3A_537 = arith.constant 16 : i32
        %mul3A_538 = arith.muli %add3A_532, %mul3A_537 : i32
        %add3A_539 = arith.constant 1 : i32
        %add3A_540 = arith.addi %mul3A_538, %add3A_539 : i32
        %get3A_541 = arith.index_cast %add3A_540 : i32 to index
        %get3A_542 = tpu.vector_load %arg7[%get3A_541] {strides = array<i32>} : memref<6160xi32, #tpu.memory_space<vmem>>, vector<16xi32>,
        %mul3A_543 = arith.constant 16 : i32
        %mul3A_544 = arith.muli %add3A_532, %mul3A_543 : i32
        %get3A_545 = arith.index_cast %mul3A_544 : i32 to index
        %get3A_546 = tpu.vector_load %arg9[%get3A_545] {strides = array<i32>} : memref<6144xf32, #tpu.memory_space<vmem>>, vector<16xf32>,
        %sub3A_547 = vector.broadcast %add3A_91 : i32 to vector<16xi32>
        %sub3A_548 = arith.subi %get3A_536, %sub3A_547 : vector<16xi32>
        %bitcast3A_549 = vector.bitcast %sub3A_548 : vector<16xi32> to vector<16xi32>
        %lt3A_550 = arith.constant 73728 : i32
        %lt3A_551 = vector.broadcast %lt3A_550 : i32 to vector<16xi32>
        %lt3A_552 = arith.cmpi ult, %bitcast3A_549, %lt3A_551 : vector<16xi32>
        %add3A_553 = arith.constant 30720 : i32
        %add3A_554 = arith.addi %mul3A_86, %add3A_553 : i32
        %mul3A_555 = arith.constant 16 : i32
        %mul3A_556 = arith.muli %add3A_532, %mul3A_555 : i32
        %add3A_557 = arith.addi %add3A_554, %mul3A_556 : i32
        %add3A_558 = vector.broadcast %add3A_557 : i32 to vector<16xi32>
        %add3A_559 = arith.addi %add3A_558, %iota3A : vector<16xi32>
        %ne3A_560 = arith.cmpi ne, %get3A_536, %get3A_542 : vector<16xi32>
        %eq3A_561 = arith.constant 7077887 : i32
        %eq3A_562 = vector.broadcast %eq3A_561 : i32 to vector<16xi32>
        %eq3A_563 = arith.cmpi eq, %add3A_559, %eq3A_562 : vector<16xi32>
        %or3A_564 = arith.ori %ne3A_560, %eq3A_563 : vector<16xi1>
        %and3A_565 = arith.andi %lt3A_552, %or3A_564 : vector<16xi1>
        tpu.vector_store_idx %arg5[%sub3A_548], %get3A_546 masked %and3A_565 : memref<73728xf32, #tpu.memory_space<vmem>>[vector<16xi32>], vector<16xf32>, vector<16xi1>
      }
      %scan3A_398 = arith.constant 384 : i32
      %lt3A = arith.constant 11 : i32
      %lt3A_399 = arith.cmpi slt, %add3A_77, %lt3A : i32
      %convert_element_type3A_400 = arith.extui %lt3A_399 : i1 to i32
      %cond3A_401 = arith.constant 0 : i32
      %cond3A_402 = arith.cmpi ne, %convert_element_type3A_400, %cond3A_401 : i32
      scf.if %cond3A_402 {
        %add3A_417 = arith.constant 1 : i32
        %add3A_418 = arith.addi %add3A_77, %add3A_417 : i32
        %mul3A_419 = arith.constant 6 : i32
        %mul3A_420 = arith.muli %add3A, %mul3A_419 : i32
        %shift_right_logical3A_421 = arith.constant 1 : i32
        %shift_right_logical3A_422 = arith.shrui %add3A_418, %shift_right_logical3A_421 : i32
        %add3A_423 = arith.addi %mul3A_420, %shift_right_logical3A_422 : i32
        %mul3A_424 = arith.constant 36864 : i32
        %mul3A_425 = arith.muli %add3A_423, %mul3A_424 : i32
        %add3A_426 = arith.constant 0 : i32
        %add3A_427 = arith.addi %mul3A_425, %add3A_426 : i32
        %dma_start3A_428 = arith.constant 0 : i32
        %dma_start3A_429 = tpu.memref_slice %arg6[%dma_start3A_428] : memref<6160xi32, #tpu.memory_space<vmem>> -> memref<6144xi32, #tpu.memory_space<vmem>>
        %dma_start3A_430 = tpu.memref_slice %arg2[%add3A_427] : memref<7077888xi32, #tpu.memory_space<hbm>> -> memref<6144xi32, #tpu.memory_space<hbm>>
        %dma_start3A_431 = arith.constant 0 : i32
        %dma_start3A_432 = tpu.memref_slice %arg6[%dma_start3A_431] : memref<6160xi32, #tpu.memory_space<vmem>> -> memref<6144xi32, #tpu.memory_space<vmem>>
        %dma_start3A_433 = tpu.memref_slice %arg2[%add3A_427] : memref<7077888xi32, #tpu.memory_space<hbm>> -> memref<6144xi32, #tpu.memory_space<hbm>>
        tpu.enqueue_dma source(%dma_start3A_433 : memref<6144xi32, #tpu.memory_space<hbm>>) target(%dma_start3A_432 : memref<6144xi32, #tpu.memory_space<vmem>>) target_semaphore(%arg10 : memref<!tpu.dma_semaphore, #tpu.memory_space<semaphore_mem>>)
        %add3A_434 = arith.constant 6144 : i32
        %add3A_435 = arith.addi %add3A_427, %add3A_434 : i32
        %min3A_436 = arith.constant 7077872 : i32
        %min3A_437 = arith.minsi %add3A_435, %min3A_436 : i32
        %dma_start3A_438 = arith.constant 6144 : i32
        %dma_start3A_439 = tpu.memref_slice %arg6[%dma_start3A_438] : memref<6160xi32, #tpu.memory_space<vmem>> -> memref<16xi32, #tpu.memory_space<vmem>>
        %dma_start3A_440 = tpu.memref_slice %arg2[%min3A_437] : memref<7077888xi32, #tpu.memory_space<hbm>> -> memref<16xi32, #tpu.memory_space<hbm>>
        %dma_start3A_441 = arith.constant 6144 : i32
        %dma_start3A_442 = tpu.memref_slice %arg6[%dma_start3A_441] : memref<6160xi32, #tpu.memory_space<vmem>> -> memref<16xi32, #tpu.memory_space<vmem>>
        %dma_start3A_443 = tpu.memref_slice %arg2[%min3A_437] : memref<7077888xi32, #tpu.memory_space<hbm>> -> memref<16xi32, #tpu.memory_space<hbm>>
        tpu.enqueue_dma source(%dma_start3A_443 : memref<16xi32, #tpu.memory_space<hbm>>) target(%dma_start3A_442 : memref<16xi32, #tpu.memory_space<vmem>>) target_semaphore(%arg10 : memref<!tpu.dma_semaphore, #tpu.memory_space<semaphore_mem>>)
        %dma_start3A_444 = tpu.memref_slice %arg3[%add3A_427] : memref<7077888xf32, #tpu.memory_space<hbm>> -> memref<6144xf32, #tpu.memory_space<hbm>>
        %dma_start3A_445 = tpu.memref_slice %arg3[%add3A_427] : memref<7077888xf32, #tpu.memory_space<hbm>> -> memref<6144xf32, #tpu.memory_space<hbm>>
        tpu.enqueue_dma source(%dma_start3A_445 : memref<6144xf32, #tpu.memory_space<hbm>>) target(%arg8 : memref<6144xf32, #tpu.memory_space<vmem>>) target_semaphore(%arg10 : memref<!tpu.dma_semaphore, #tpu.memory_space<semaphore_mem>>)
        %add3A_446 = arith.constant 1 : i32
        %add3A_447 = arith.addi %add3A_77, %add3A_446 : i32
        %mul3A_448 = arith.constant 6 : i32
        %mul3A_449 = arith.muli %add3A, %mul3A_448 : i32
        %shift_right_logical3A_450 = arith.constant 1 : i32
        %shift_right_logical3A_451 = arith.shrui %add3A_447, %shift_right_logical3A_450 : i32
        %add3A_452 = arith.addi %mul3A_449, %shift_right_logical3A_451 : i32
        %mul3A_453 = arith.constant 36864 : i32
        %mul3A_454 = arith.muli %add3A_452, %mul3A_453 : i32
        %add3A_455 = arith.constant 6144 : i32
        %add3A_456 = arith.addi %mul3A_454, %add3A_455 : i32
        %dma_start3A_457 = arith.constant 0 : i32
        %dma_start3A_458 = tpu.memref_slice %arg7[%dma_start3A_457] : memref<6160xi32, #tpu.memory_space<vmem>> -> memref<6144xi32, #tpu.memory_space<vmem>>
        %dma_start3A_459 = tpu.memref_slice %arg2[%add3A_456] : memref<7077888xi32, #tpu.memory_space<hbm>> -> memref<6144xi32, #tpu.memory_space<hbm>>
        %dma_start3A_460 = arith.constant 0 : i32
        %dma_start3A_461 = tpu.memref_slice %arg7[%dma_start3A_460] : memref<6160xi32, #tpu.memory_space<vmem>> -> memref<6144xi32, #tpu.memory_space<vmem>>
        %dma_start3A_462 = tpu.memref_slice %arg2[%add3A_456] : memref<7077888xi32, #tpu.memory_space<hbm>> -> memref<6144xi32, #tpu.memory_space<hbm>>
        tpu.enqueue_dma source(%dma_start3A_462 : memref<6144xi32, #tpu.memory_space<hbm>>) target(%dma_start3A_461 : memref<6144xi32, #tpu.memory_space<vmem>>) target_semaphore(%arg11 : memref<!tpu.dma_semaphore, #tpu.memory_space<semaphore_mem>>)
        %add3A_463 = arith.constant 6144 : i32
        %add3A_464 = arith.addi %add3A_456, %add3A_463 : i32
        %min3A_465 = arith.constant 7077872 : i32
        %min3A_466 = arith.minsi %add3A_464, %min3A_465 : i32
        %dma_start3A_467 = arith.constant 6144 : i32
        %dma_start3A_468 = tpu.memref_slice %arg7[%dma_start3A_467] : memref<6160xi32, #tpu.memory_space<vmem>> -> memref<16xi32, #tpu.memory_space<vmem>>
        %dma_start3A_469 = tpu.memref_slice %arg2[%min3A_466] : memref<7077888xi32, #tpu.memory_space<hbm>> -> memref<16xi32, #tpu.memory_space<hbm>>
        %dma_start3A_470 = arith.constant 6144 : i32
        %dma_start3A_471 = tpu.memref_slice %arg7[%dma_start3A_470] : memref<6160xi32, #tpu.memory_space<vmem>> -> memref<16xi32, #tpu.memory_space<vmem>>
        %dma_start3A_472 = tpu.memref_slice %arg2[%min3A_466] : memref<7077888xi32, #tpu.memory_space<hbm>> -> memref<16xi32, #tpu.memory_space<hbm>>
        tpu.enqueue_dma source(%dma_start3A_472 : memref<16xi32, #tpu.memory_space<hbm>>) target(%dma_start3A_471 : memref<16xi32, #tpu.memory_space<vmem>>) target_semaphore(%arg11 : memref<!tpu.dma_semaphore, #tpu.memory_space<semaphore_mem>>)
        %dma_start3A_473 = tpu.memref_slice %arg3[%add3A_456] : memref<7077888xf32, #tpu.memory_space<hbm>> -> memref<6144xf32, #tpu.memory_space<hbm>>
        %dma_start3A_474 = tpu.memref_slice %arg3[%add3A_456] : memref<7077888xf32, #tpu.memory_space<hbm>> -> memref<6144xf32, #tpu.memory_space<hbm>>
        tpu.enqueue_dma source(%dma_start3A_474 : memref<6144xf32, #tpu.memory_space<hbm>>) target(%arg9 : memref<6144xf32, #tpu.memory_space<vmem>>) target_semaphore(%arg11 : memref<!tpu.dma_semaphore, #tpu.memory_space<semaphore_mem>>)
      } else {
      }
      %mul3A_403 = arith.constant 6 : i32
      %mul3A_404 = arith.muli %add3A, %mul3A_403 : i32
      %shift_right_logical3A_405 = arith.constant 1 : i32
      %shift_right_logical3A_406 = arith.shrui %add3A_77, %shift_right_logical3A_405 : i32
      %add3A_407 = arith.addi %mul3A_404, %shift_right_logical3A_406 : i32
      %and3A_408 = arith.constant 1 : i32
      %and3A_409 = arith.andi %add3A_77, %and3A_408 : i32
      %mul3A_410 = arith.constant 147456 : i32
      %mul3A_411 = arith.muli %add3A_407, %mul3A_410 : i32
      %mul3A_412 = arith.constant 73728 : i32
      %mul3A_413 = arith.muli %and3A_409, %mul3A_412 : i32
      %add3A_414 = arith.addi %mul3A_411, %mul3A_413 : i32
      %dma_start3A_415 = tpu.memref_slice %arg4[%add3A_414] : memref<28311552xf32, #tpu.memory_space<hbm>> -> memref<73728xf32, #tpu.memory_space<hbm>>
      %dma_start3A_416 = tpu.memref_slice %arg4[%add3A_414] : memref<28311552xf32, #tpu.memory_space<hbm>> -> memref<73728xf32, #tpu.memory_space<hbm>>
      tpu.enqueue_dma source(%arg5 : memref<73728xf32, #tpu.memory_space<vmem>>) target(%dma_start3A_416 : memref<73728xf32, #tpu.memory_space<hbm>>) target_semaphore(%arg12 : memref<!tpu.dma_semaphore, #tpu.memory_space<semaphore_mem>>)
    }
    %scan3A_58 = arith.constant 12 : i32
    %mul3A_59 = arith.constant 6 : i32
    %mul3A_60 = arith.muli %add3A, %mul3A_59 : i32
    %shift_right_logical3A_61 = arith.constant 11 : i32
    %shift_right_logical3A_62 = arith.constant 1 : i32
    %shift_right_logical3A_63 = arith.shrui %shift_right_logical3A_61, %shift_right_logical3A_62 : i32
    %add3A_64 = arith.addi %mul3A_60, %shift_right_logical3A_63 : i32
    %and3A = arith.constant 11 : i32
    %and3A_65 = arith.constant 1 : i32
    %and3A_66 = arith.andi %and3A, %and3A_65 : i32
    %mul3A_67 = arith.constant 147456 : i32
    %mul3A_68 = arith.muli %add3A_64, %mul3A_67 : i32
    %mul3A_69 = arith.constant 73728 : i32
    %mul3A_70 = arith.muli %and3A_66, %mul3A_69 : i32
    %add3A_71 = arith.addi %mul3A_68, %mul3A_70 : i32
    %dma_wait3A = tpu.memref_slice %arg4[%add3A_71] : memref<28311552xf32, #tpu.memory_space<hbm>> -> memref<73728xf32, #tpu.memory_space<hbm>>
    %dma_wait3A_72 = tpu.memref_slice %arg4[%add3A_71] : memref<28311552xf32, #tpu.memory_space<hbm>> -> memref<73728xf32, #tpu.memory_space<hbm>>
    tpu.wait_dma2 semaphore(%arg12 : memref<!tpu.dma_semaphore, #tpu.memory_space<semaphore_mem>>) src(%arg5 : memref<73728xf32, #tpu.memory_space<vmem>>) dst(%dma_wait3A_72 : memref<73728xf32, #tpu.memory_space<hbm>>)
    return
  }
}

</mosaic_0001>

<sc_bundles>
// kernel: kernel.3.cloned.1.call-start
scs
__scs_entry_jumppad:
0x0: {  	(pc) =	sbr.rel $0x88, $3  }
0x1: {  	(tag) =	ssettag $0x0;
	lr =	simm.s32 $0x1  }
0x2: {  	[smem:$0x3F9F] =	sst lr;
	_ =	strace $0xD0000000  }
0x3: {  	_ = 	snop  }
0x4: {  	_ = 	snop  }
0x5: {  	_ = 	snop  }
0x6: {  	_ = 	snop  }
0x7: {  	_ = 	snop  }
__scs_overlays_trampoline_lowered:
0x8: {  	[smem:$0x3FAE] =	sst s0  }
0x9: {  	[smem:$0x3FAF] =	sst s1  }
0xa: {  	[smem:$0x3FB0] =	sst s2  }
0xb: {  	[smem:$0x3FB1] =	sst s3  }
0xc: {  	[smem:$0x3FB2] =	sst s4  }
0xd: {  	[smem:$0x3FB3] =	sst s5  }
0xe: {  	[smem:$0x3FB4] =	sst s6  }
0xf: {  	[smem:$0x3FB5] =	sst s7  }
0x10: {  	[smem:$0x3FB6] =	sst s8  }
0x11: {  	[smem:$0x3FB7] =	sst s9;
	s0 =	simm.s32 @!p0 $0x0  }
0x12: {  	s1 =	sld [smem:$0x3F9D];
	s0 =	simm.s32 @p0 $0x1  }
0x13: {  	[smem:$0x3FB8] =	sst s0;
	s0 =	simm.s32 @!p1 $0x0  }
0x14: {  	s2 =	sld [smem:$0x3F9C];
	s0 =	simm.s32 @p1 $0x1  }
0x15: {  	[smem:$0x3FB9] =	sst s0;
	s0 =	simm.s32 @!p2 $0x0  }
0x16: {  	s3 =	sld [smem:$0x3FDB];
	s0 =	simm.s32 @p2 $0x1  }
0x17: {  	s4 =	simm.s32 $0x1BF5;
	[smem:$0x3FBB] =	sst s0  }
0x18: {  	s0 =	sld [smem:$0x3F9E];
	_ =	swait.ge [sflag:s4], $0x0  }
0x19: {  	s7 =	sld [smem:$0x3F9F]  }
0x1a: {  	s8 =	sadd.s32 $0xFFFFE003, lr  }
0x1b: {  	s9 =	sadd.s32 $0xFFFFFEF7, lr;
	s5 =	simm.s32 $0xFFFFFFFF;
	p2 =	slt.u32 s8, $0xFFFFF086  }
0x1c: {  	p1 =	slt.u32 s9, $0xF7A;
	s5 =	simm.s32 @!p2 $0x0  }
0x1d: {  	s5 =	simm.s32 @p1 $0x1;
	p0 =	seq.s32 s7, s2  }
0x1e: {  	s7 =	smul.u32 @!p0 $0xF7A, s2;
	p2 =	seq.s32 @!p0 s5, $0x0  }
0x1f: {  	s9 =	smul.u32 $0xF7A, s1;
	s8 =	simm.s32 @!p0 $0x1BF5;
	p2 =	por !p2, p0  }
0x20: {  	[sflag:s8] =	ssyncset.s32 @!p0 $0xFFFFF086;
	s6 =	sadd.s32 @!p0 s3, s7;
	s7 =	simm.s32 @!p0 $0x108  }
0x21: {  	s3 =	sadd.s32 s3, s9;
	s6 =	sadd.s32 @!p0 $0x88, s6;
	s7 =	simm.s32 @p2 $0x1082  }
0x22: {  	[simem:s7], [sflag:s8] =	dma.local @!p0 [hbm:s6], $0xF7A  }
0x23: {  	s9 =	sor.u32 $0xD0000000, s2;
	s6 =	simm.s32 $0x108;
	_ =	swait.ge @!p0 [sflag:s8], $0x0  }
0x24: {  	s3 =	sadd.s32 $0x88, s3;
	s6 =	simm.s32 @!p1 $0x1082;
	[sflag:s4] =	ssyncset.s32 $0xFFFFF086  }
0x25: {  	[simem:s6], [sflag:s4] =	dma.local [hbm:s3], $0xF7A  }
0x26: {  	[smem:$0x3F9F] =	sst s1;
	(tag) =	ssettag s2;
	_ =	strace s9  }
0x27: {  	s1 =	sld [smem:$0x3FAF]  }
0x28: {  	s2 =	sld [smem:$0x3FB0]  }
0x29: {  	s4 =	sld [smem:$0x3FB2]  }
0x2a: {  	p0 =	seq.s32 s5, $0x0;
	s5 =	sld [smem:$0x3FB3]  }
0x2b: {  	s6 =	sld [smem:$0x3FB4]  }
0x2c: {  	s7 =	sld [smem:$0x3FB5]  }
0x2d: {  	s3 =	simm.s32 $0x108;
	s8 =	sld [smem:$0x3FB6]  }
0x2e: {  	s3 =	simm.s32 @!p0 $0x1082;
	s9 =	sld [smem:$0x3FB7]  }
0x2f: {  	lr =	sadd.s32 s0, s3;
	s0 =	sld [smem:$0x3FAE]  }
0x30: {  	s3 =	sld [smem:$0x3FB1]  }
0x31: {  	[smem:$0x3FBA] =	sst s10  }
0x32: {  	s10 =	sld [smem:$0x3FB8];
	_ =	sdelay $0x3  }
0x33: {  	p0 =	seq.s32 s10, $0x1;
	s10 =	sld [smem:$0x3FBA];
	_ =	sdelay $0x3  }
0x34: {  	[smem:$0x3FBA] =	sst s10  }
0x35: {  	s10 =	sld [smem:$0x3FB9];
	_ =	sdelay $0x3  }
0x36: {  	p1 =	seq.s32 s10, $0x1;
	s10 =	sld [smem:$0x3FBA];
	_ =	sdelay $0x3  }
0x37: {  	[smem:$0x3FBA] =	sst s10  }
0x38: {  	s10 =	sld [smem:$0x3FBB]  }
0x39: {  	_ = 	snop;
	(pc) =	sbr.ind lr, $3  }
0x3a: {  	_ = 	snop  }
0x3b: {  	_ = 	snop  }
0x3c: {  	p2 =	seq.s32 s10, $0x1;
	s10 =	sld [smem:$0x3FBA]  }
0x3d: {  	_ =	shalt  }
0x3e: {  	_ =	shalt  }
0x3f: {  	_ =	shalt  }
0x40: {  	_ =	shalt  }
0x41: {  	_ =	shalt  }
0x42: {  	_ =	shalt  }
0x43: {  	_ =	shalt  }
0x44: {  	_ =	shalt  }
0x45: {  	_ =	shalt  }
0x46: {  	_ =	shalt  }
0x47: {  	_ =	shalt  }
0x48: {  	_ =	shalt  }
0x49: {  	_ =	shalt  }
0x4a: {  	_ =	shalt  }
0x4b: {  	_ =	shalt  }
0x4c: {  	_ =	shalt  }
0x4d: {  	_ =	shalt  }
0x4e: {  	_ =	shalt  }
0x4f: {  	_ =	shalt  }
0x50: {  	_ =	shalt  }
0x51: {  	_ =	shalt  }
0x52: {  	_ =	shalt  }
0x53: {  	_ =	shalt  }
0x54: {  	_ =	shalt  }
0x55: {  	_ =	shalt  }
0x56: {  	_ =	shalt  }
0x57: {  	_ =	shalt  }
0x58: {  	_ =	shalt  }
0x59: {  	_ =	shalt  }
0x5a: {  	_ =	shalt  }
0x5b: {  	_ =	shalt  }
0x5c: {  	_ =	shalt  }
0x5d: {  	_ =	shalt  }
0x5e: {  	_ =	shalt  }
0x5f: {  	_ =	shalt  }
0x60: {  	_ =	shalt  }
0x61: {  	_ =	shalt  }
0x62: {  	_ =	shalt  }
0x63: {  	_ =	shalt  }
0x64: {  	_ =	shalt  }
0x65: {  	_ =	shalt  }
0x66: {  	_ =	shalt  }
0x67: {  	_ =	shalt  }
0x68: {  	_ =	shalt  }
0x69: {  	_ =	shalt  }
0x6a: {  	_ =	shalt  }
0x6b: {  	_ =	shalt  }
0x6c: {  	_ =	shalt  }
0x6d: {  	_ =	shalt  }
0x6e: {  	_ =	shalt  }
0x6f: {  	_ =	shalt  }
0x70: {  	_ =	shalt  }
0x71: {  	_ =	shalt  }
0x72: {  	_ =	shalt  }
0x73: {  	_ =	shalt  }
0x74: {  	_ =	shalt  }
0x75: {  	_ =	shalt  }
0x76: {  	_ =	shalt  }
0x77: {  	_ =	shalt  }
0x78: {  	_ =	shalt  }
0x79: {  	_ =	shalt  }
0x7a: {  	_ =	shalt  }
0x7b: {  	_ =	shalt  }
0x7c: {  	_ =	shalt  }
0x7d: {  	_ =	shalt  }
0x7e: {  	_ =	shalt  }
0x7f: {  	_ =	shalt  }
0x80: {  	_ =	shalt  }
0x81: {  	_ =	shalt  }
0x82: {  	_ =	shalt  }
0x83: {  	_ =	shalt  }
0x84: {  	_ =	shalt  }
0x85: {  	_ =	shalt  }
0x86: {  	_ =	shalt  }
0x87: {  	_ =	shalt  }
.Lfunc_end0:
.L_simem_size_0:
called_computation_lowered:
.L_overlay_start_0:
0x88: {  	s2 =	sld [smem:$0x3FD9]  }
0x89: {  	s3 =	sld [smem:$0x3FFE];
	_ =	sdelay $0x1  }
0x8a: {  	s1 =	srdreg.scid  }
0x8b: {  	s0 =	sand.u32 $0x1, s1  }
0x8c: {  	s17 =	sshll.u32 s0, $0xA;
	s2 =	sadd.s32 s3, s2  }
0x8d: {  	s2 =	sadd.s32 s2, s17  }
0x8e: {  	[smem:$0x3FC6] =	sst s2  }
0x8f: {  	_ = 	snop  }
0x90: {  	s2 =	sld [smem:$0x3FD0];
	(tm) =	ssettm $0x1  }
0x91: {  	s18 =	sld [smem:$0x3FFB];
	_ =	sdelay $0x3  }
0x92: {  	_ =	strace s18  }
0x93: {  	s3 =	sld [smem:$0x3FFC];
	_ =	sdelay $0x3  }
0x94: {  	_ =	strace s3  }
0x95: {  	s3 =	sld [smem:$0x3FFD];
	_ =	sdelay $0x3  }
0x96: {  	_ =	strace s3  }
0x97: {  	_ =	strace $0x8FFFFFFF  }
0x98: {  	s19 =	sld [smem:$0x3FDB];
	_ =	sdelay $0x1  }
0x99: {  	s4 =	simm.s32 $_scs_section_size  }
0x9a: {  	s5 =	simm.s32 $_size__tile_overlayer_lowered;
	s6 =	simm.s32 $_tile_overlayer_lowered  }
0x9b: {  	s22 =	simm.s32 $0x1BFF;
	s21 =	sshll.u32 s6, $0x1;
	s3 =	sadd.s32 s4, s19  }
0x9c: {  	s7 =	simm.s32 $0x0;
	s20 =	sshll.u32 s5, $0x1;
	s5 =	sadd.s32 s21, s3  }
0x9d: {  	[timem:s7], [sflag:s22] =	dma.local [hbm:s5], s20  }
0x9e: {  	_ =	swait.ge [sflag:s22], s20  }
0x9f: {  	s4 =	ssub.s32 $0x0, s20;
	[sflag:s22] =	ssyncset.done $0x0  }
0xa0: {  	[sflag:s22] =	ssyncadd.s32 s4;
	_ =	sdelay $0x1  }
0xa1: {  	s23 =	simm.s32 $0x1B8B  }
0xa2: {  	_ =	swait.ge [sflag:s23], $0x1  }
0xa3: {  	[sflag:s23] =	ssyncset.done $0x0  }
0xa4: {  	s25 =	simm.s32 $0x1B8E;
	s24 =	sld [smem:$0x3FFE];
	[sflag:s23] =	ssyncadd.s32 $0xFFFFFFFF  }
0xa5: {  	s26 =	simm.s32 $execute0_lowered;
	[smem:$0x3FD2] =	sst s25  }
0xa6: {  	s5 =	sshll.u32 s26, $0x1;
	_ =	strace $0x80000046;
	[dreg:$0x1] =	wrdreg $0xFFFFFFFF  }
0xa7: {  	s28 =	simm.s32 $_size_execute0_lowered;
	s3 =	sadd.s32 s3, s5;
	[dreg:$0x0] =	wrdreg $0x0  }
0xa8: {  	s5 =	sshll.u32 s28, $0x1;
	[dreg:$0x2] =	wrdreg s3  }
0xa9: {  	[dreg:$0x3] =	wrdreg s5  }
0xaa: {  	[dreg:$0x4] =	wrdreg $0xC0  }
0xab: {  	_ =	task [dreg:s7], $0x5FFFF  }
0xac: {  	[dreg:$0x1] =	wrdreg $0xFFFFFFFF  }
0xad: {  	[dreg:$0x0] =	wrdreg $0x60  }
0xae: {  	[dreg:$0x2] =	wrdreg s2  }
0xaf: {  	[dreg:$0x3] =	wrdreg s24  }
0xb0: {  	[dreg:$0x4] =	wrdreg $0x9  }
0xb1: {  	_ =	task.clear_ibuf [dreg:s7], $0x5FFFF;
	_ =	strace $0x90000046  }
0xb2: {  	s29 =	simm.s32 $0x9;
	_ =	strace $0x80000048  }
0xb3: {  	_ =	swait.ge [sflag:s29], $0x1  }
0xb4: {  	[sflag:s29] =	ssyncadd.s32 $0xFFFFFFFF  }
0xb5: {  	_ =	strace $0x90000048  }
0xb6: {  	_ =	sfence  }
0xb7: {  	s30 =	sld [smem:$0x0];
	_ =	sdelay $0x2  }
0xb8: {  	s31 =	sshll.u32 s1, $0xD;
	s1 =	sshrl.u32 s1, $0x2  }
0xb9: {  	s3 =	sand.u32 $0x4000, s31;
	s1 =	sadd.s32 s1, s30  }
0xba: {  	s0 =	sor.u32 s3, s0;
	s1 =	sshll.u32 s1, $0x11  }
0xbb: {  	s0 =	sor.u32 s1, s0  }
0xbc: {  	s0 =	sadd.s32 $0x8F2B, s0  }
0xbd: {  	[sflag:s0] =	ssyncadd.remote.s32 $0x1  }
0xbe: {  	_ =	sfence.sel $0xFFFF  }
0xbf: {  	[dreg:$0x0] =	wrdreg $0xFFFFFFFF;
	(pc) =	sbr.abs _section_cstart, $3  }
0xc0: {  	[dreg:$0x1] =	wrdreg $0xFFFFFFFF  }
0xc1: {  	_ =	task.clear_ibuf [dreg:s7], $0x2FFFF;
	_ =	strace $0x9FFFFFFF  }
0xc2: {  	(tm) =	ssettm $0x7FFFFFFF  }
0xc3: {  	_ =	shalt  }
tec
execute0_lowered:
.L_overlay_start_1:
0x0: {  	(tag) =	ssettag $0x1  }
0x1: {  	s2 =	rddreg [dreg:$0x0];
	s0 =	srdreg.scid  }
0x2: {  	s9 =	stileid.u32;
	s3 =	rddreg [dreg:$0x1]  }
0x3: {  	s4 =	simm.s32 $0x0;
	s14 =	simm.s32 $0x12000;
	s15 =	simm.s32 $0x13800  }
0x4: {  	s16 =	simm.s32 $0x15100;
	s17 =	simm.s32 $0x13880;
	s18 =	simm.s32 $0x15080  }
0x5: {  	s19 =	simm.s32 $0x16900;
	s20 =	simm.s32 $0x1;
	s21 =	simm.s32 $0x2  }
0x6: {  	s22 =	simm.s32 $0x3;
	s23 =	simm.s32 $0x0;
	s0 =	sand.u32 $0x1, s0  }
0x7: {  	s1 =	sshll.u32 s9, $0x1;
	[smem:$0x7FF] =	sst s4;
	s13 =	smul.u32 $0xC, s9  }
0x8: {  	s1 =	sor.u32 s0, s1;
	s6 =	ssub.s32 $0x2, s0;
	s0 =	smul.u32 $0x6, s0  }
0x9: {  	s5 =	sadd.s32 $0xD8000, s3;
	s7 =	smul.u32 $0x36000, s1;
	s8 =	sshrl.u32 s6, $0x1  }
0xa: {  	v0 =	vlaneseq.u32;
	_ =	strace $0x80000047;
	s11 =	smul.u32 $0x6, s1;
	s12 =	ssub.s32 s6, s8  }
0xb: {  	v1 =	vmul.u32 $0xFFFFFFFF, v0;
	s13 =	sadd.s32 s0, s13;
	s31 =	sshrl.u32 s7, $0x3;
	s12 =	smax.u32 s12, $0x1  }
0xc: {  	s6 =	sadd.s32 s2, s31;
	s10 =	sor.u32 $0x300, s31;
	s8 =	sadd.s32 s3, s31  }
0xd: {  	v0 =	vimm.f32 $0.0e+00;
	v1 =	vadd.s32 $0x6BFFFF, v1;
	s7 =	sadd.s32 s2, s10;
	s9 =	sadd.s32 $0x600, s6;
	s10 =	sadd.s32 s3, s10  }
.LBB2_1:
0xe: {  	[tilespmem:s14], [sflag:$0x1] =	stream.linear.gather [hbm4b:s6+s4], $0x1800, $0x38;
	[tilespmem:$0x18100] =	vst v63  }
0xf: {  	_ = 	snop  }
0x10: {  	[tilespmem:s15], [sflag:$0x1] =	stream.linear.gather [hbm4b:s7+s4], $0x10, $0x38;
	[tilespmem:$0x18100] =	vst v63  }
0x11: {  	_ = 	snop  }
0x12: {  	[tilespmem:s16], [sflag:$0x1] =	stream.linear.gather [hbm4b:s8+s4], $0x1800, $0x38;
	[tilespmem:$0x18100] =	vst v63  }
0x13: {  	_ = 	snop  }
0x14: {  	[tilespmem:s17], [sflag:$0x2] =	stream.linear.gather [hbm4b:s7+s4], $0x1800, $0x38;
	[tilespmem:$0x18100] =	vst v63  }
0x15: {  	_ = 	snop  }
0x16: {  	[tilespmem:s18], [sflag:$0x2] =	stream.linear.gather [hbm4b:s9+s4], $0x10, $0x38;
	[tilespmem:$0x18100] =	vst v63  }
0x17: {  	s24 =	simm.s32 $0x0  }
0x18: {  	[tilespmem:s19], [sflag:$0x2] =	stream.linear.gather [hbm4b:s10+s4], $0x1800, $0x38;
	[tilespmem:$0x18100] =	vst v63  }
.LBB2_2:
0x19: {  	p0 =	seq.s32 s24, $0x0  }
0x1a: {  	s0 =	simm.s32 @!p0 $0x3  }
0x1b: {  	_ =	swait.ge @!p0 [sflag:s0], $0x12000  }
0x1c: {  	[sflag:s0] =	ssyncset.done @!p0 $0x0  }
0x1d: {  	s1 =	simm.s32 $0x40;
	[sflag:s0] =	ssyncadd.s32 @!p0 $0xFFFEE000  }
0x1e: {  	[tilespmem:s1+$0xFFFFFFC0] =	vst v0  }
0x1f: {  	[tilespmem:s1+$0x30] =	vst v0  }
0x20: {  	s0 =	sshrl.u32 s24, $0x1;
	[tilespmem:s1+$0x20] =	vst v0  }
0x21: {  	s26 =	sand.u32 $0x1, s24;
	s25 =	sadd.s32 s11, s0;
	[tilespmem:s1+$0x10] =	vst v0  }
0x22: {  	p0 =	seq.s32 s26, $0x1;
	s26 =	simm.s32 $0x12000;
	[tilespmem:s1+$0x0] =	vst v0;
	s29 =	smul.u32 $0x24000, s25  }
0x23: {  	s26 =	simm.s32 @!p0 $0x0;
	[tilespmem:s1+$0xFFFFFFF0] =	vst v0  }
0x24: {  	[tilespmem:s1+$0xFFFFFFE0] =	vst v0;
	s28 =	smul.u32 $0x9000, s25;
	s25 =	sadd.s32 s26, s29;
	s26 =	simm.s32 $0x0  }
.LBB2_3:
0x25: {  	s26 =	sadd.s32 $0x8, s26;
	[tilespmem:s1+$0xFFFFFFD0] =	vst v0;
	s1 =	sadd.s32 $0x80, s1  }
0x26: {  	[tilespmem:s1+$0xFFFFFFC0] =	vst v0;
	p0 =	slt.u32 s26, $0x11F8  }
0x27: {  	[tilespmem:s1+$0x30] =	vst v0  }
.Ltmp0:
0x28: {  	[tilespmem:s1+$0x20] =	vst v0;
	(pc) =	sbr.rel @p0 .LBB2_3-.Ltmp0, $4  }
0x29: {  	[tilespmem:s1+$0x10] =	vst v0  }
0x2a: {  	[tilespmem:s1+$0x0] =	vst v0  }
0x2b: {  	[tilespmem:s1+$0xFFFFFFF0] =	vst v0  }
0x2c: {  	[tilespmem:s1+$0xFFFFFFE0] =	vst v0  }
0x2d: {  	[tilespmem:s1+$0xFFFFFFD0] =	vst v0  }
0x2e: {  	_ =	swait.ge [sflag:s20], $0x1800  }
0x2f: {  	[sflag:s20] =	ssyncset.done $0x0  }
0x30: {  	[sflag:s20] =	ssyncadd.s32 $0xFFFFE800  }
0x31: {  	_ =	swait.ge [sflag:s20], $0x10  }
0x32: {  	[sflag:s20] =	ssyncset.done $0x0  }
0x33: {  	s0 =	sadd.s32 s0, s13;
	[sflag:s20] =	ssyncadd.s32 $0xFFFFFFF0  }
0x34: {  	s26 =	smul.u32 $0x9000, s0;
	_ =	swait.ge [sflag:s20], $0x1800  }
0x35: {  	s30 =	simm.s32 $0xFFFFFFFC;
	s31 =	simm.s32 $0x12020;
	[sflag:s20] =	ssyncset.done $0x0  }
0x36: {  	v2 =	vmov s25;
	s1 =	simm.s32 $0x15120;
	s29 =	sor.u32 $0x30, s26;
	[sflag:s20] =	ssyncadd.s32 $0xFFFFE800  }
.LBB2_5:
0x37: {  	v3 =	vld [tilespmem:s31+$0xFFFFFFE0]  }
0x38: {  	v4 =	vld [tilespmem:s31+$0xFFFFFFE1];
	_ =	sdelay $0x3  }
0x39: {  	v5 =	vsub.s32 v3, v2  }
0x3a: {  	vm1 =	vne.s32 v3, v4;
	vm0 =	vlt.u32 v5, $0x12000  }
0x3b: {  	v3 =	vand.u32 $0x7F, v3;
	v50 =	vand.u32 $0xFFFFFF80, v5;
	vm0 =	vmand vm0, vm1  }
0x3c: {  	v51 =	vld [tilespmem:s1+$0xFFFFFFE0];
	v3 =	vor.u32 v3, v50;
	_ =	sdelay $0x4  }
0x3d: {  	[tilespmem:v3+s4+$0x0] =	vst.idx.msk vm0, v51  }
0x3e: {  	v3 =	vld [tilespmem:s31+$0xFFFFFFF0]  }
0x3f: {  	v52 =	vld [tilespmem:s31+$0xFFFFFFF1];
	_ =	sdelay $0x3  }
0x40: {  	v53 =	vsub.s32 v3, v2  }
0x41: {  	vm11 =	vne.s32 v3, v52;
	vm10 =	vlt.u32 v53, $0x12000  }
0x42: {  	v3 =	vand.u32 $0x7F, v3;
	v54 =	vand.u32 $0xFFFFFF80, v53;
	vm0 =	vmand vm10, vm11  }
0x43: {  	v55 =	vld [tilespmem:s1+$0xFFFFFFF0];
	v3 =	vor.u32 v3, v54;
	_ =	sdelay $0x4  }
0x44: {  	[tilespmem:v3+s4+$0x0] =	vst.idx.msk vm0, v55  }
0x45: {  	v3 =	vld [tilespmem:s31+$0x0]  }
0x46: {  	v56 =	vld [tilespmem:s31+$0x1];
	_ =	sdelay $0x3  }
0x47: {  	v57 =	vsub.s32 v3, v2  }
0x48: {  	vm13 =	vne.s32 v3, v56;
	vm12 =	vlt.u32 v57, $0x12000  }
0x49: {  	v3 =	vand.u32 $0x7F, v3;
	v58 =	vand.u32 $0xFFFFFF80, v57;
	vm0 =	vmand vm12, vm13  }
0x4a: {  	v59 =	vld [tilespmem:s1+$0x0];
	v3 =	vor.u32 v3, v58;
	_ =	sdelay $0x4  }
0x4b: {  	[tilespmem:v3+s4+$0x0] =	vst.idx.msk vm0, v59  }
0x4c: {  	v3 =	vld [tilespmem:s31+$0x10]  }
0x4d: {  	v60 =	vld [tilespmem:s31+$0x11];
	_ =	sdelay $0x3  }
0x4e: {  	v61 =	vmov s29  }
0x4f: {  	vm15 =	veq.s32 v61, v1;
	v6 =	vsub.s32 v3, v2;
	vm14 =	vne.s32 v3, v60  }
0x50: {  	vm2 =	vlt.u32 v6, $0x12000;
	vm0 =	vmor vm15, vm14  }
0x51: {  	s30 =	sadd.s32 $0x4, s30;
	v3 =	vand.u32 $0x7F, v3;
	v62 =	vand.u32 $0xFFFFFF80, v6;
	vm0 =	vmand vm2, vm0  }
0x52: {  	p0 =	slt.u32 s30, $0x17C;
	v63 =	vld [tilespmem:s1+$0x10];
	v3 =	vor.u32 v3, v62  }
.Ltmp1:
0x53: {  	_ = 	snop;
	(pc) =	sbr.rel @p0 .LBB2_5-.Ltmp1, $2  }
0x54: {  	_ =	sdelay $0x2  }
0x55: {  	s29 =	sadd.s32 $0x40, s29;
	s31 =	sadd.s32 $0x40, s31;
	s1 =	sadd.s32 $0x40, s1;
	[tilespmem:v3+s4+$0x0] =	vst.idx.msk vm0, v63  }
0x56: {  	s0 =	sshrl.u32 s28, $0x3  }
0x57: {  	s0 =	sadd.s32 $0x600, s0  }
0x58: {  	s29 =	sadd.s32 $0x4800, s28;
	s1 =	sadd.s32 s2, s0  }
0x59: {  	[tilespmem:s14], [sflag:$0x1] =	stream.linear.gather [hbm4b:s1+s4], $0x1800, $0x38;
	[tilespmem:$0x18100] =	vst v63  }
0x5a: {  	s1 =	smin.u32 s29, $0x6BFFF0  }
0x5b: {  	s1 =	sshrl.u32 s1, $0x3  }
0x5c: {  	s1 =	sadd.s32 s2, s1  }
0x5d: {  	[tilespmem:s15], [sflag:$0x1] =	stream.linear.gather [hbm4b:s1+s4], $0x10, $0x38;
	[tilespmem:$0x18100] =	vst v63  }
0x5e: {  	s0 =	sadd.s32 s3, s0  }
0x5f: {  	[tilespmem:s16], [sflag:$0x1] =	stream.linear.gather [hbm4b:s0+s4], $0x1800, $0x38;
	[tilespmem:$0x18100] =	vst v63  }
0x60: {  	_ =	swait.ge [sflag:s21], $0x1800  }
0x61: {  	[sflag:s21] =	ssyncset.done $0x0  }
0x62: {  	[sflag:s21] =	ssyncadd.s32 $0xFFFFE800  }
0x63: {  	_ =	swait.ge [sflag:s21], $0x10  }
0x64: {  	[sflag:s21] =	ssyncset.done $0x0  }
0x65: {  	[sflag:s21] =	ssyncadd.s32 $0xFFFFFFF0  }
0x66: {  	_ =	swait.ge [sflag:s21], $0x1800  }
0x67: {  	s30 =	sadd.s32 $0x1830, s26;
	s31 =	simm.s32 $0xFFFFFFFC;
	[sflag:s21] =	ssyncset.done $0x0  }
0x68: {  	s1 =	simm.s32 $0x138A0;
	s0 =	simm.s32 $0x16920;
	[sflag:s21] =	ssyncadd.s32 $0xFFFFE800  }
.LBB2_7:
0x69: {  	v3 =	vld [tilespmem:s1+$0xFFFFFFE0]  }
0x6a: {  	v4 =	vld [tilespmem:s1+$0xFFFFFFE1];
	_ =	sdelay $0x3  }
0x6b: {  	v5 =	vsub.s32 v3, v2  }
0x6c: {  	vm1 =	vne.s32 v3, v4;
	vm0 =	vlt.u32 v5, $0x12000  }
0x6d: {  	v3 =	vand.u32 $0x7F, v3;
	v50 =	vand.u32 $0xFFFFFF80, v5;
	vm0 =	vmand vm0, vm1  }
0x6e: {  	v51 =	vld [tilespmem:s0+$0xFFFFFFE0];
	v3 =	vor.u32 v3, v50;
	_ =	sdelay $0x4  }
0x6f: {  	[tilespmem:v3+s4+$0x0] =	vst.idx.msk vm0, v51  }
0x70: {  	v3 =	vld [tilespmem:s1+$0xFFFFFFF0]  }
0x71: {  	v52 =	vld [tilespmem:s1+$0xFFFFFFF1];
	_ =	sdelay $0x3  }
0x72: {  	v53 =	vsub.s32 v3, v2  }
0x73: {  	vm11 =	vne.s32 v3, v52;
	vm10 =	vlt.u32 v53, $0x12000  }
0x74: {  	v3 =	vand.u32 $0x7F, v3;
	v54 =	vand.u32 $0xFFFFFF80, v53;
	vm0 =	vmand vm10, vm11  }
0x75: {  	v55 =	vld [tilespmem:s0+$0xFFFFFFF0];
	v3 =	vor.u32 v3, v54;
	_ =	sdelay $0x4  }
0x76: {  	[tilespmem:v3+s4+$0x0] =	vst.idx.msk vm0, v55  }
0x77: {  	v3 =	vld [tilespmem:s1+$0x0]  }
0x78: {  	v56 =	vld [tilespmem:s1+$0x1];
	_ =	sdelay $0x3  }
0x79: {  	v57 =	vsub.s32 v3, v2  }
0x7a: {  	vm13 =	vne.s32 v3, v56;
	vm12 =	vlt.u32 v57, $0x12000  }
0x7b: {  	v3 =	vand.u32 $0x7F, v3;
	v58 =	vand.u32 $0xFFFFFF80, v57;
	vm0 =	vmand vm12, vm13  }
0x7c: {  	v59 =	vld [tilespmem:s0+$0x0];
	v3 =	vor.u32 v3, v58;
	_ =	sdelay $0x4  }
0x7d: {  	[tilespmem:v3+s4+$0x0] =	vst.idx.msk vm0, v59  }
0x7e: {  	v3 =	vld [tilespmem:s1+$0x10]  }
0x7f: {  	v60 =	vld [tilespmem:s1+$0x11];
	_ =	sdelay $0x3  }
0x80: {  	v61 =	vmov s30  }
0x81: {  	vm15 =	veq.s32 v61, v1;
	v6 =	vsub.s32 v3, v2;
	vm14 =	vne.s32 v3, v60  }
0x82: {  	vm2 =	vlt.u32 v6, $0x12000;
	vm0 =	vmor vm15, vm14  }
0x83: {  	s31 =	sadd.s32 $0x4, s31;
	v3 =	vand.u32 $0x7F, v3;
	v62 =	vand.u32 $0xFFFFFF80, v6;
	vm0 =	vmand vm2, vm0  }
0x84: {  	p0 =	slt.u32 s31, $0x17C;
	v63 =	vld [tilespmem:s0+$0x10];
	v3 =	vor.u32 v3, v62  }
.Ltmp2:
0x85: {  	_ = 	snop;
	(pc) =	sbr.rel @p0 .LBB2_7-.Ltmp2, $2  }
0x86: {  	_ =	sdelay $0x2  }
0x87: {  	s30 =	sadd.s32 $0x40, s30;
	s1 =	sadd.s32 $0x40, s1;
	s0 =	sadd.s32 $0x40, s0;
	[tilespmem:v3+s4+$0x0] =	vst.idx.msk vm0, v63  }
0x88: {  	s0 =	sshrl.u32 s29, $0x3  }
0x89: {  	s29 =	sadd.s32 $0x6000, s28;
	s1 =	sadd.s32 s2, s0  }
0x8a: {  	[tilespmem:s17], [sflag:$0x2] =	stream.linear.gather [hbm4b:s1+s4], $0x1800, $0x38;
	[tilespmem:$0x18100] =	vst v63  }
0x8b: {  	s1 =	smin.u32 s29, $0x6BFFF0  }
0x8c: {  	s1 =	sshrl.u32 s1, $0x3  }
0x8d: {  	s1 =	sadd.s32 s2, s1  }
0x8e: {  	[tilespmem:s18], [sflag:$0x2] =	stream.linear.gather [hbm4b:s1+s4], $0x10, $0x38;
	[tilespmem:$0x18100] =	vst v63  }
0x8f: {  	s0 =	sadd.s32 s3, s0  }
0x90: {  	[tilespmem:s19], [sflag:$0x2] =	stream.linear.gather [hbm4b:s0+s4], $0x1800, $0x38;
	[tilespmem:$0x18100] =	vst v63  }
0x91: {  	_ =	swait.ge [sflag:s20], $0x1800  }
0x92: {  	[sflag:s20] =	ssyncset.done $0x0  }
0x93: {  	[sflag:s20] =	ssyncadd.s32 $0xFFFFE800  }
0x94: {  	_ =	swait.ge [sflag:s20], $0x10  }
0x95: {  	[sflag:s20] =	ssyncset.done $0x0  }
0x96: {  	[sflag:s20] =	ssyncadd.s32 $0xFFFFFFF0  }
0x97: {  	_ =	swait.ge [sflag:s20], $0x1800  }
0x98: {  	s30 =	sadd.s32 $0x3030, s26;
	s31 =	simm.s32 $0xFFFFFFFC;
	[sflag:s20] =	ssyncset.done $0x0  }
0x99: {  	s1 =	simm.s32 $0x12020;
	s0 =	simm.s32 $0x15120;
	[sflag:s20] =	ssyncadd.s32 $0xFFFFE800  }
.LBB2_9:
0x9a: {  	v3 =	vld [tilespmem:s1+$0xFFFFFFE0]  }
0x9b: {  	v4 =	vld [tilespmem:s1+$0xFFFFFFE1];
	_ =	sdelay $0x3  }
0x9c: {  	v5 =	vsub.s32 v3, v2  }
0x9d: {  	vm1 =	vne.s32 v3, v4;
	vm0 =	vlt.u32 v5, $0x12000  }
0x9e: {  	v3 =	vand.u32 $0x7F, v3;
	v50 =	vand.u32 $0xFFFFFF80, v5;
	vm0 =	vmand vm0, vm1  }
0x9f: {  	v51 =	vld [tilespmem:s0+$0xFFFFFFE0];
	v3 =	vor.u32 v3, v50;
	_ =	sdelay $0x4  }
0xa0: {  	[tilespmem:v3+s4+$0x0] =	vst.idx.msk vm0, v51  }
0xa1: {  	v3 =	vld [tilespmem:s1+$0xFFFFFFF0]  }
0xa2: {  	v52 =	vld [tilespmem:s1+$0xFFFFFFF1];
	_ =	sdelay $0x3  }
0xa3: {  	v53 =	vsub.s32 v3, v2  }
0xa4: {  	vm11 =	vne.s32 v3, v52;
	vm10 =	vlt.u32 v53, $0x12000  }
0xa5: {  	v3 =	vand.u32 $0x7F, v3;
	v54 =	vand.u32 $0xFFFFFF80, v53;
	vm0 =	vmand vm10, vm11  }
0xa6: {  	v55 =	vld [tilespmem:s0+$0xFFFFFFF0];
	v3 =	vor.u32 v3, v54;
	_ =	sdelay $0x4  }
0xa7: {  	[tilespmem:v3+s4+$0x0] =	vst.idx.msk vm0, v55  }
0xa8: {  	v3 =	vld [tilespmem:s1+$0x0]  }
0xa9: {  	v56 =	vld [tilespmem:s1+$0x1];
	_ =	sdelay $0x3  }
0xaa: {  	v57 =	vsub.s32 v3, v2  }
0xab: {  	vm13 =	vne.s32 v3, v56;
	vm12 =	vlt.u32 v57, $0x12000  }
0xac: {  	v3 =	vand.u32 $0x7F, v3;
	v58 =	vand.u32 $0xFFFFFF80, v57;
	vm0 =	vmand vm12, vm13  }
0xad: {  	v59 =	vld [tilespmem:s0+$0x0];
	v3 =	vor.u32 v3, v58;
	_ =	sdelay $0x4  }
0xae: {  	[tilespmem:v3+s4+$0x0] =	vst.idx.msk vm0, v59  }
0xaf: {  	v3 =	vld [tilespmem:s1+$0x10]  }
0xb0: {  	v60 =	vld [tilespmem:s1+$0x11];
	_ =	sdelay $0x3  }
0xb1: {  	v61 =	vmov s30  }
0xb2: {  	vm15 =	veq.s32 v61, v1;
	v6 =	vsub.s32 v3, v2;
	vm14 =	vne.s32 v3, v60  }
0xb3: {  	vm2 =	vlt.u32 v6, $0x12000;
	vm0 =	vmor vm15, vm14  }
0xb4: {  	s31 =	sadd.s32 $0x4, s31;
	v3 =	vand.u32 $0x7F, v3;
	v62 =	vand.u32 $0xFFFFFF80, v6;
	vm0 =	vmand vm2, vm0  }
0xb5: {  	p0 =	slt.u32 s31, $0x17C;
	v63 =	vld [tilespmem:s0+$0x10];
	v3 =	vor.u32 v3, v62  }
.Ltmp3:
0xb6: {  	_ = 	snop;
	(pc) =	sbr.rel @p0 .LBB2_9-.Ltmp3, $2  }
0xb7: {  	_ =	sdelay $0x2  }
0xb8: {  	s30 =	sadd.s32 $0x40, s30;
	s1 =	sadd.s32 $0x40, s1;
	s0 =	sadd.s32 $0x40, s0;
	[tilespmem:v3+s4+$0x0] =	vst.idx.msk vm0, v63  }
0xb9: {  	s0 =	sshrl.u32 s29, $0x3  }
0xba: {  	s29 =	sadd.s32 $0x7800, s28;
	s1 =	sadd.s32 s2, s0  }
0xbb: {  	[tilespmem:s14], [sflag:$0x1] =	stream.linear.gather [hbm4b:s1+s4], $0x1800, $0x38;
	[tilespmem:$0x18100] =	vst v63  }
0xbc: {  	s1 =	smin.u32 s29, $0x6BFFF0  }
0xbd: {  	s1 =	sshrl.u32 s1, $0x3  }
0xbe: {  	s1 =	sadd.s32 s2, s1  }
0xbf: {  	[tilespmem:s15], [sflag:$0x1] =	stream.linear.gather [hbm4b:s1+s4], $0x10, $0x38;
	[tilespmem:$0x18100] =	vst v63  }
0xc0: {  	s0 =	sadd.s32 s3, s0  }
0xc1: {  	[tilespmem:s16], [sflag:$0x1] =	stream.linear.gather [hbm4b:s0+s4], $0x1800, $0x38;
	[tilespmem:$0x18100] =	vst v63  }
0xc2: {  	_ =	swait.ge [sflag:s21], $0x1800  }
0xc3: {  	[sflag:s21] =	ssyncset.done $0x0  }
0xc4: {  	[sflag:s21] =	ssyncadd.s32 $0xFFFFE800  }
0xc5: {  	_ =	swait.ge [sflag:s21], $0x10  }
0xc6: {  	[sflag:s21] =	ssyncset.done $0x0  }
0xc7: {  	[sflag:s21] =	ssyncadd.s32 $0xFFFFFFF0  }
0xc8: {  	_ =	swait.ge [sflag:s21], $0x1800  }
0xc9: {  	s30 =	sadd.s32 $0x4830, s26;
	s31 =	simm.s32 $0xFFFFFFFC;
	[sflag:s21] =	ssyncset.done $0x0  }
0xca: {  	s1 =	simm.s32 $0x138A0;
	s0 =	simm.s32 $0x16920;
	[sflag:s21] =	ssyncadd.s32 $0xFFFFE800  }
.LBB2_11:
0xcb: {  	v3 =	vld [tilespmem:s1+$0xFFFFFFE0]  }
0xcc: {  	v4 =	vld [tilespmem:s1+$0xFFFFFFE1];
	_ =	sdelay $0x3  }
0xcd: {  	v5 =	vsub.s32 v3, v2  }
0xce: {  	vm1 =	vne.s32 v3, v4;
	vm0 =	vlt.u32 v5, $0x12000  }
0xcf: {  	v3 =	vand.u32 $0x7F, v3;
	v50 =	vand.u32 $0xFFFFFF80, v5;
	vm0 =	vmand vm0, vm1  }
0xd0: {  	v51 =	vld [tilespmem:s0+$0xFFFFFFE0];
	v3 =	vor.u32 v3, v50;
	_ =	sdelay $0x4  }
0xd1: {  	[tilespmem:v3+s4+$0x0] =	vst.idx.msk vm0, v51  }
0xd2: {  	v3 =	vld [tilespmem:s1+$0xFFFFFFF0]  }
0xd3: {  	v52 =	vld [tilespmem:s1+$0xFFFFFFF1];
	_ =	sdelay $0x3  }
0xd4: {  	v53 =	vsub.s32 v3, v2  }
0xd5: {  	vm11 =	vne.s32 v3, v52;
	vm10 =	vlt.u32 v53, $0x12000  }
0xd6: {  	v3 =	vand.u32 $0x7F, v3;
	v54 =	vand.u32 $0xFFFFFF80, v53;
	vm0 =	vmand vm10, vm11  }
0xd7: {  	v55 =	vld [tilespmem:s0+$0xFFFFFFF0];
	v3 =	vor.u32 v3, v54;
	_ =	sdelay $0x4  }
0xd8: {  	[tilespmem:v3+s4+$0x0] =	vst.idx.msk vm0, v55  }
0xd9: {  	v3 =	vld [tilespmem:s1+$0x0]  }
0xda: {  	v56 =	vld [tilespmem:s1+$0x1];
	_ =	sdelay $0x3  }
0xdb: {  	v57 =	vsub.s32 v3, v2  }
0xdc: {  	vm13 =	vne.s32 v3, v56;
	vm12 =	vlt.u32 v57, $0x12000  }
0xdd: {  	v3 =	vand.u32 $0x7F, v3;
	v58 =	vand.u32 $0xFFFFFF80, v57;
	vm0 =	vmand vm12, vm13  }
0xde: {  	v59 =	vld [tilespmem:s0+$0x0];
	v3 =	vor.u32 v3, v58;
	_ =	sdelay $0x4  }
0xdf: {  	[tilespmem:v3+s4+$0x0] =	vst.idx.msk vm0, v59  }
0xe0: {  	v3 =	vld [tilespmem:s1+$0x10]  }
0xe1: {  	v60 =	vld [tilespmem:s1+$0x11];
	_ =	sdelay $0x3  }
0xe2: {  	v61 =	vmov s30  }
0xe3: {  	vm15 =	veq.s32 v61, v1;
	v6 =	vsub.s32 v3, v2;
	vm14 =	vne.s32 v3, v60  }
0xe4: {  	vm2 =	vlt.u32 v6, $0x12000;
	vm0 =	vmor vm15, vm14  }
0xe5: {  	s31 =	sadd.s32 $0x4, s31;
	v3 =	vand.u32 $0x7F, v3;
	v62 =	vand.u32 $0xFFFFFF80, v6;
	vm0 =	vmand vm2, vm0  }
0xe6: {  	p0 =	slt.u32 s31, $0x17C;
	v63 =	vld [tilespmem:s0+$0x10];
	v3 =	vor.u32 v3, v62  }
.Ltmp4:
0xe7: {  	_ = 	snop;
	(pc) =	sbr.rel @p0 .LBB2_11-.Ltmp4, $2  }
0xe8: {  	_ =	sdelay $0x2  }
0xe9: {  	s30 =	sadd.s32 $0x40, s30;
	s1 =	sadd.s32 $0x40, s1;
	s0 =	sadd.s32 $0x40, s0;
	[tilespmem:v3+s4+$0x0] =	vst.idx.msk vm0, v63  }
0xea: {  	s0 =	sshrl.u32 s29, $0x3  }
0xeb: {  	s31 =	smin.u32 s28, $0x6B6FF0;
	s1 =	sadd.s32 s2, s0  }
0xec: {  	[tilespmem:s17], [sflag:$0x2] =	stream.linear.gather [hbm4b:s1+s4], $0x1800, $0x38;
	[tilespmem:$0x18100] =	vst v63  }
0xed: {  	s1 =	sshrl.u32 s31, $0x3  }
0xee: {  	s1 =	sadd.s32 s2, s1  }
0xef: {  	s1 =	sadd.s32 $0x1200, s1  }
0xf0: {  	[tilespmem:s18], [sflag:$0x2] =	stream.linear.gather [hbm4b:s1+s4], $0x10, $0x38;
	[tilespmem:$0x18100] =	vst v63  }
0xf1: {  	s0 =	sadd.s32 s3, s0  }
0xf2: {  	[tilespmem:s19], [sflag:$0x2] =	stream.linear.gather [hbm4b:s0+s4], $0x1800, $0x38;
	[tilespmem:$0x18100] =	vst v63  }
0xf3: {  	_ =	swait.ge [sflag:s20], $0x1800  }
0xf4: {  	[sflag:s20] =	ssyncset.done $0x0  }
0xf5: {  	[sflag:s20] =	ssyncadd.s32 $0xFFFFE800  }
0xf6: {  	_ =	swait.ge [sflag:s20], $0x10  }
0xf7: {  	[sflag:s20] =	ssyncset.done $0x0  }
0xf8: {  	[sflag:s20] =	ssyncadd.s32 $0xFFFFFFF0  }
0xf9: {  	_ =	swait.ge [sflag:s20], $0x1800  }
0xfa: {  	s28 =	sadd.s32 $0x6030, s26;
	s29 =	simm.s32 $0xFFFFFFFC;
	[sflag:s20] =	ssyncset.done $0x0  }
0xfb: {  	s1 =	simm.s32 $0x12020;
	s0 =	simm.s32 $0x15120;
	[sflag:s20] =	ssyncadd.s32 $0xFFFFE800  }
.LBB2_13:
0xfc: {  	v3 =	vld [tilespmem:s1+$0xFFFFFFE0]  }
0xfd: {  	v4 =	vld [tilespmem:s1+$0xFFFFFFE1];
	_ =	sdelay $0x3  }
0xfe: {  	v5 =	vsub.s32 v3, v2  }
0xff: {  	vm1 =	vne.s32 v3, v4;
	vm0 =	vlt.u32 v5, $0x12000  }
0x100: {  	v3 =	vand.u32 $0x7F, v3;
	v50 =	vand.u32 $0xFFFFFF80, v5;
	vm0 =	vmand vm0, vm1  }
0x101: {  	v51 =	vld [tilespmem:s0+$0xFFFFFFE0];
	v3 =	vor.u32 v3, v50;
	_ =	sdelay $0x4  }
0x102: {  	[tilespmem:v3+s4+$0x0] =	vst.idx.msk vm0, v51  }
0x103: {  	v3 =	vld [tilespmem:s1+$0xFFFFFFF0]  }
0x104: {  	v52 =	vld [tilespmem:s1+$0xFFFFFFF1];
	_ =	sdelay $0x3  }
0x105: {  	v53 =	vsub.s32 v3, v2  }
0x106: {  	vm11 =	vne.s32 v3, v52;
	vm10 =	vlt.u32 v53, $0x12000  }
0x107: {  	v3 =	vand.u32 $0x7F, v3;
	v54 =	vand.u32 $0xFFFFFF80, v53;
	vm0 =	vmand vm10, vm11  }
0x108: {  	v55 =	vld [tilespmem:s0+$0xFFFFFFF0];
	v3 =	vor.u32 v3, v54;
	_ =	sdelay $0x4  }
0x109: {  	[tilespmem:v3+s4+$0x0] =	vst.idx.msk vm0, v55  }
0x10a: {  	v3 =	vld [tilespmem:s1+$0x0]  }
0x10b: {  	v56 =	vld [tilespmem:s1+$0x1];
	_ =	sdelay $0x3  }
0x10c: {  	v57 =	vsub.s32 v3, v2  }
0x10d: {  	vm13 =	vne.s32 v3, v56;
	vm12 =	vlt.u32 v57, $0x12000  }
0x10e: {  	v3 =	vand.u32 $0x7F, v3;
	v58 =	vand.u32 $0xFFFFFF80, v57;
	vm0 =	vmand vm12, vm13  }
0x10f: {  	v59 =	vld [tilespmem:s0+$0x0];
	v3 =	vor.u32 v3, v58;
	_ =	sdelay $0x4  }
0x110: {  	[tilespmem:v3+s4+$0x0] =	vst.idx.msk vm0, v59  }
0x111: {  	v3 =	vld [tilespmem:s1+$0x10]  }
0x112: {  	v60 =	vld [tilespmem:s1+$0x11];
	_ =	sdelay $0x3  }
0x113: {  	v61 =	vmov s28  }
0x114: {  	vm15 =	veq.s32 v61, v1;
	v6 =	vsub.s32 v3, v2;
	vm14 =	vne.s32 v3, v60  }
0x115: {  	vm2 =	vlt.u32 v6, $0x12000;
	vm0 =	vmor vm15, vm14  }
0x116: {  	s29 =	sadd.s32 $0x4, s29;
	v3 =	vand.u32 $0x7F, v3;
	v62 =	vand.u32 $0xFFFFFF80, v6;
	vm0 =	vmand vm2, vm0  }
0x117: {  	p0 =	slt.u32 s29, $0x17C;
	v63 =	vld [tilespmem:s0+$0x10];
	v3 =	vor.u32 v3, v62  }
.Ltmp5:
0x118: {  	_ = 	snop;
	(pc) =	sbr.rel @p0 .LBB2_13-.Ltmp5, $2  }
0x119: {  	_ =	sdelay $0x2  }
0x11a: {  	s28 =	sadd.s32 $0x40, s28;
	s1 =	sadd.s32 $0x40, s1;
	s0 =	sadd.s32 $0x40, s0;
	[tilespmem:v3+s4+$0x0] =	vst.idx.msk vm0, v63  }
0x11b: {  	_ =	swait.ge [sflag:s21], $0x1800  }
0x11c: {  	[sflag:s21] =	ssyncset.done $0x0  }
0x11d: {  	[sflag:s21] =	ssyncadd.s32 $0xFFFFE800  }
0x11e: {  	_ =	swait.ge [sflag:s21], $0x10  }
0x11f: {  	[sflag:s21] =	ssyncset.done $0x0  }
0x120: {  	[sflag:s21] =	ssyncadd.s32 $0xFFFFFFF0  }
0x121: {  	_ =	swait.ge [sflag:s21], $0x1800  }
0x122: {  	s26 =	sadd.s32 $0x7830, s26;
	s28 =	simm.s32 $0xFFFFFFFC;
	[sflag:s21] =	ssyncset.done $0x0  }
0x123: {  	s1 =	simm.s32 $0x138A0;
	s0 =	simm.s32 $0x16920;
	[sflag:s21] =	ssyncadd.s32 $0xFFFFE800  }
.LBB2_15:
0x124: {  	v3 =	vld [tilespmem:s1+$0xFFFFFFE0]  }
0x125: {  	v4 =	vld [tilespmem:s1+$0xFFFFFFE1];
	_ =	sdelay $0x3  }
0x126: {  	v5 =	vsub.s32 v3, v2  }
0x127: {  	vm1 =	vne.s32 v3, v4;
	vm0 =	vlt.u32 v5, $0x12000  }
0x128: {  	v3 =	vand.u32 $0x7F, v3;
	v50 =	vand.u32 $0xFFFFFF80, v5;
	vm0 =	vmand vm0, vm1  }
0x129: {  	v51 =	vld [tilespmem:s0+$0xFFFFFFE0];
	v3 =	vor.u32 v3, v50;
	_ =	sdelay $0x4  }
0x12a: {  	[tilespmem:v3+s4+$0x0] =	vst.idx.msk vm0, v51  }
0x12b: {  	v3 =	vld [tilespmem:s1+$0xFFFFFFF0]  }
0x12c: {  	v52 =	vld [tilespmem:s1+$0xFFFFFFF1];
	_ =	sdelay $0x3  }
0x12d: {  	v53 =	vsub.s32 v3, v2  }
0x12e: {  	vm11 =	vne.s32 v3, v52;
	vm10 =	vlt.u32 v53, $0x12000  }
0x12f: {  	v3 =	vand.u32 $0x7F, v3;
	v54 =	vand.u32 $0xFFFFFF80, v53;
	vm0 =	vmand vm10, vm11  }
0x130: {  	v55 =	vld [tilespmem:s0+$0xFFFFFFF0];
	v3 =	vor.u32 v3, v54;
	_ =	sdelay $0x4  }
0x131: {  	[tilespmem:v3+s4+$0x0] =	vst.idx.msk vm0, v55  }
0x132: {  	v3 =	vld [tilespmem:s1+$0x0]  }
0x133: {  	v56 =	vld [tilespmem:s1+$0x1];
	_ =	sdelay $0x3  }
0x134: {  	v57 =	vsub.s32 v3, v2  }
0x135: {  	vm13 =	vne.s32 v3, v56;
	vm12 =	vlt.u32 v57, $0x12000  }
0x136: {  	v3 =	vand.u32 $0x7F, v3;
	v58 =	vand.u32 $0xFFFFFF80, v57;
	vm0 =	vmand vm12, vm13  }
0x137: {  	v59 =	vld [tilespmem:s0+$0x0];
	v3 =	vor.u32 v3, v58;
	_ =	sdelay $0x4  }
0x138: {  	[tilespmem:v3+s4+$0x0] =	vst.idx.msk vm0, v59  }
0x139: {  	v3 =	vld [tilespmem:s1+$0x10]  }
0x13a: {  	v60 =	vld [tilespmem:s1+$0x11];
	_ =	sdelay $0x3  }
0x13b: {  	v61 =	vmov s26  }
0x13c: {  	vm15 =	veq.s32 v61, v1;
	v6 =	vsub.s32 v3, v2;
	vm14 =	vne.s32 v3, v60  }
0x13d: {  	vm2 =	vlt.u32 v6, $0x12000;
	vm0 =	vmor vm15, vm14  }
0x13e: {  	s28 =	sadd.s32 $0x4, s28;
	v3 =	vand.u32 $0x7F, v3;
	v62 =	vand.u32 $0xFFFFFF80, v6;
	vm0 =	vmand vm2, vm0  }
0x13f: {  	p0 =	slt.u32 s28, $0x17C;
	v63 =	vld [tilespmem:s0+$0x10];
	v3 =	vor.u32 v3, v62  }
.Ltmp6:
0x140: {  	_ = 	snop;
	(pc) =	sbr.rel @p0 .LBB2_15-.Ltmp6, $2  }
0x141: {  	_ =	sdelay $0x2  }
0x142: {  	s26 =	sadd.s32 $0x40, s26;
	s1 =	sadd.s32 $0x40, s1;
	s0 =	sadd.s32 $0x40, s0;
	[tilespmem:v3+s4+$0x0] =	vst.idx.msk vm0, v63  }
0x143: {  	p0 =	seq.s32 s24, $0xB  }
0x144: {  	s24 =	sadd.s32 @!p0 $0x1, s24  }
0x145: {  	s0 =	sshrl.u32 @!p0 s24, $0x1  }
0x146: {  	s0 =	sadd.s32 @!p0 s11, s0  }
0x147: {  	s0 =	smul.u32 @!p0 $0x9000, s0;
	_ =	sdelay $0x1  }
0x148: {  	s1 =	sshrl.u32 @!p0 s0, $0x3  }
0x149: {  	s28 =	simm.s32 @!p0 $0x0;
	s29 =	simm.s32 @!p0 $0x12000;
	s26 =	sadd.s32 @!p0 s2, s1  }
0x14a: {  	[tilespmem:s29], [sflag:$0x1] =	stream.linear.gather @!p0 [hbm4b:s26+s28], $0x1800, $0x38;
	[tilespmem:$0x18100] =	vst v63  }
0x14b: {  	s26 =	sadd.s32 @!p0 $0x1800, s0  }
0x14c: {  	s29 =	smin.u32 @!p0 s26, $0x6BFFF0  }
0x14d: {  	s29 =	sshrl.u32 @!p0 s29, $0x3  }
0x14e: {  	s30 =	simm.s32 @!p0 $0x13800;
	s29 =	sadd.s32 @!p0 s2, s29  }
0x14f: {  	[tilespmem:s30], [sflag:$0x1] =	stream.linear.gather @!p0 [hbm4b:s29+s28], $0x10, $0x38;
	[tilespmem:$0x18100] =	vst v63  }
0x150: {  	s1 =	sadd.s32 @!p0 s3, s1;
	s0 =	smin.u32 @!p0 s0, $0x6BCFF0;
	s29 =	simm.s32 @!p0 $0x15100  }
0x151: {  	[tilespmem:s29], [sflag:$0x1] =	stream.linear.gather @!p0 [hbm4b:s1+s28], $0x1800, $0x38;
	[tilespmem:$0x18100] =	vst v63  }
0x152: {  	s0 =	sshrl.u32 @!p0 s0, $0x3;
	s1 =	sshrl.u32 @!p0 s26, $0x3  }
0x153: {  	s0 =	sadd.s32 @!p0 s2, s0;
	s29 =	simm.s32 @!p0 $0x13880;
	s26 =	sadd.s32 @!p0 s2, s1  }
0x154: {  	[tilespmem:s29], [sflag:$0x2] =	stream.linear.gather @!p0 [hbm4b:s26+s28], $0x1800, $0x38;
	[tilespmem:$0x18100] =	vst v63  }
0x155: {  	s0 =	sadd.s32 @!p0 $0x600, s0;
	s26 =	simm.s32 @!p0 $0x15080  }
0x156: {  	[tilespmem:s26], [sflag:$0x2] =	stream.linear.gather @!p0 [hbm4b:s0+s28], $0x10, $0x38;
	[tilespmem:$0x18100] =	vst v63  }
0x157: {  	s24 =	simm.s32 @p0 $0xC;
	s0 =	sadd.s32 @!p0 s3, s1;
	s1 =	simm.s32 @!p0 $0x16900  }
0x158: {  	[tilespmem:s1], [sflag:$0x2] =	stream.linear.gather @!p0 [hbm4b:s0+s28], $0x1800, $0x38;
	[tilespmem:$0x18100] =	vst v63  }
0x159: {  	p0 =	sne.s32 s24, $0xC  }
.Ltmp7:
0x15a: {  	_ = 	snop;
	(pc) =	sbr.rel @p0 .LBB2_2-.Ltmp7, $4  }
0x15b: {  	_ = 	snop  }
0x15c: {  	s31 =	sshrl.u32 s25, $0x3  }
0x15d: {  	s0 =	sadd.s32 s5, s31  }
0x15e: {  	[hbm4b:s0+s4] =	stream.linear.scatter [tilespmem:s4], [sflag:$0x3], $0x12000, $0x38;
	[tilespmem:$0x18100] =	vst v63  }
0x15f: {  	s23 =	sadd.s32 $0x1, s23  }
0x160: {  	p0 =	sne.s32 s23, s12  }
.Ltmp8:
0x161: {  	_ = 	snop;
	(pc) =	sbr.rel @p0 .LBB2_1-.Ltmp8, $4  }
0x162: {  	_ = 	snop  }
0x163: {  	_ =	swait.ge [sflag:s22], $0x12000  }
0x164: {  	[sflag:s22] =	ssyncset.done $0x0  }
0x165: {  	[sflag:s22] =	ssyncadd.s32 $0xFFFEE000  }
0x166: {  	_ =	sfence.sel $0x180000  }
0x167: {  	[bflag:$0x0] =	sbarrier.arrive $0xFFFF  }
0x168: {  	_ =	strace $0x90000047  }
0x169: {  	s0 =	stileid.u32;
	[bflag:$0x2] =	sbarrier.arrive $0xFFFF  }
0x16a: {  	p0 =	sne.s32 s0, $0x0;
	s0 =	rddreg [dreg:$0x2]  }
0x16b: {  	s0 =	sadd.s32 @!p0 $0x100000, s0  }
0x16c: {  	[sflag:s0] =	ssyncadd.tile.s32 @!p0 $0x1;
	_ =	shalt  }
.Lfunc_end2:
_tile_overlayer_lowered:
.L_overlay_start_2:
0x16d: {  	(tag) =	ssettag $0x2  }
0x16e: {  	s0 =	rddreg [dreg:$0x0];
	s2 =	stileid.u32  }
0x16f: {  	s1 =	rddreg [dreg:$0x1];
	p0 =	sne.s32 s2, $0x0  }
0x170: {  	s3 =	rddreg [dreg:$0x2];
	[bflag:$0x3] =	sbarrier.arrive $0xFFFF;
	s2 =	simm.s32 @!p0 $0x1C04  }
0x171: {  	[timem:s3], [sflag:s2] =	dma.local @!p0 [hbm:s0], s1  }
0x172: {  	s0 =	simm.s32 @!p0 $0x4  }
0x173: {  	_ =	swait.ge @!p0 [sflag:s0], s1  }
0x174: {  	s1 =	ssub.s32 @!p0 $0x0, s1;
	[sflag:s0] =	ssyncset.done @!p0 $0x0  }
0x175: {  	[sflag:s0] =	ssyncadd.s32 @!p0 s1  }
0x176: {  	[bflag:$0x3] =	sbarrier.arrive $0xFFFF  }
0x177: {  	_ =	shalt  }

</sc_bundles>
